<compile_context>
chip_gen: v7x
topology: tpu7x:2x2x1
jax: 0.10.2.dev20260603
libtpu: 0.0.44.dev20260713+nightly
codegen_flags: <defaults>
</compile_context>

<pallas_src>
import dataclasses

import jax
import jax.numpy as jnp
from jax import lax
from jax.experimental import pallas as pl
from jax.experimental.pallas import tpu as pltpu
from jax.experimental.pallas import tpu_sc as plsc

_NC = 2
_NS = 16
_NW = _NC * _NS
_CW = 512
_LANES = 16


def _mesh():
    return plsc.VectorSubcoreMesh(core_axis_name="c", subcore_axis_name="s")


def _sc_params():
    cp = pltpu.CompilerParams()
    if "needs_layout_passes" in pltpu.CompilerParams.__dataclass_fields__:
        cp = dataclasses.replace(cp, needs_layout_passes=False)
    return cp


def _deg(col_e, w_e, zeros_n):
    n = zeros_n.shape[0]
    e = w_e.shape[0]
    epw = e // _NW
    nfull = epw // _CW
    rem = epw - nfull * _CW

    def body(col_hbm, w_hbm, zeros_hbm, out_hbm, col_v, w_v, deg_sh, sem):
        cid = lax.axis_index("c")
        sid = lax.axis_index("s")
        wid = sid * _NC + cid

        @pl.when(sid == 0)
        def _():
            pltpu.sync_copy(zeros_hbm, deg_sh)

        pltpu.sync_copy(col_hbm.at[pl.ds(wid * epw, epw)], col_v)
        pltpu.sync_copy(w_hbm.at[pl.ds(wid * epw, epw)], w_v)
        plsc.subcore_barrier()

        @pl.loop(0, nfull)
        def _(k):
            sl = pl.ds(k * _CW, _CW)
            pltpu.async_copy(w_v.at[sl], deg_sh.at[col_v.at[sl]], sem,
                             add=True)

        if rem:
            sl = pl.ds(nfull * _CW, rem)
            pltpu.async_copy(w_v.at[sl], deg_sh.at[col_v.at[sl]], sem,
                             add=True)

        @pl.loop(0, nfull)
        def _(k):
            pltpu.make_async_copy(w_hbm.at[pl.ds(0, _CW)],
                                  w_v.at[pl.ds(0, _CW)], sem).wait()

        if rem:
            pltpu.make_async_copy(w_hbm.at[pl.ds(0, rem)],
                                  w_v.at[pl.ds(0, rem)], sem).wait()

        plsc.subcore_barrier()

        @pl.when(sid == 0)
        def _():
            pltpu.sync_copy(deg_sh, out_hbm.at[cid])

    kern = pl.kernel(
        body,
        out_type=jax.ShapeDtypeStruct((_NC, n), jnp.float32),
        mesh=_mesh(),
        scratch_types=[
            pltpu.VMEM((epw,), jnp.int32),
            pltpu.VMEM((epw,), jnp.float32),
            pltpu.VMEM_SHARED((n,), jnp.float32),
            pltpu.SemaphoreType.DMA,
        ],
    )
    return kern(col_e, w_e, zeros_n)


def _dense_body(num_x_ref, cat_x_ref, emb_W_ref, emb_b_ref, gcn_W_ref,
                vo_ref, fcW0_ref, fc_b_ref, degp_ref,
                y0_ref, y1_ref, y2_ref, y3_ref, dis_ref, vout_ref):
    cat_emb = (jnp.sum(cat_x_ref[...][:, :, None] * emb_W_ref[...], axis=1)
               + emb_b_ref[...])
    gcn_W = gcn_W_ref[...]
    xw_num = jnp.dot(num_x_ref[...], gcn_W,
                     preferred_element_type=jnp.float32)
    xw_cat = jnp.dot(cat_emb, gcn_W, preferred_element_type=jnp.float32)
    xwT = jnp.transpose(jnp.concatenate([xw_num, xw_cat], axis=0))
    deg = 1.0 + degp_ref[0, :] + degp_ref[1, :]
    dis = lax.rsqrt(deg)
    dis_ref[...] = dis
    y0_ref[...] = dis * xwT[0, :]
    y1_ref[...] = dis * xwT[1, :]
    y2_ref[...] = dis * xwT[2, :]
    y3_ref[...] = dis * xwT[3, :]
    vout_ref[...] = (jnp.dot(vo_ref[...], fcW0_ref[...],
                             preferred_element_type=jnp.float32)
                     + fc_b_ref[...][None, :])


def _dense(num_x, cat_x, emb_W, emb_b, gcn_W, vanilla_out, fcW0, fc_b, degp):
    n = degp.shape[1]
    b, ncls = vanilla_out.shape[0], fcW0.shape[1]
    yv = jax.ShapeDtypeStruct((n,), jnp.float32)
    return pl.pallas_call(
        _dense_body,
        out_shape=(
            yv, yv, yv, yv, yv,
            jax.ShapeDtypeStruct((b, ncls), jnp.float32),
        ),
    )(num_x, cat_x, emb_W, emb_b, gcn_W, vanilla_out, fcW0, fc_b, degp)


def _msg(y0, y1, y2, y3, row_e, col_e, w_e, zeros_n):
    n = y0.shape[0]
    hh = 4
    e = w_e.shape[0]
    epw = e // _NW
    nfull = epw // _CW
    rem = epw - nfull * _CW

    def body(y0_hbm, y1_hbm, y2_hbm, y3_hbm, row_hbm, col_hbm, w_hbm,
             zeros_hbm, out_hbm,
             y0_v, y1_v, y2_v, y3_v, row_v, col_v, w_v,
             u0, u1, u2, u3, s0, s1, s2, s3, sem):
        cid = lax.axis_index("c")
        sid = lax.axis_index("s")
        wid = sid * _NC + cid

        stage = [
            pltpu.async_copy(y0_hbm, y0_v, sem),
            pltpu.async_copy(y1_hbm, y1_v, sem),
            pltpu.async_copy(y2_hbm, y2_v, sem),
            pltpu.async_copy(y3_hbm, y3_v, sem),
            pltpu.async_copy(row_hbm.at[pl.ds(wid * epw, epw)], row_v, sem),
            pltpu.async_copy(col_hbm.at[pl.ds(wid * epw, epw)], col_v, sem),
            pltpu.async_copy(w_hbm.at[pl.ds(wid * epw, epw)], w_v, sem),
        ]

        @pl.when(sid == 0)
        def _():
            pltpu.sync_copy(zeros_hbm, s0)
            pltpu.sync_copy(zeros_hbm, s1)

        @pl.when(sid == 1)
        def _():
            pltpu.sync_copy(zeros_hbm, s2)
            pltpu.sync_copy(zeros_hbm, s3)

        for d in stage:
            d.wait()
        plsc.subcore_barrier()

        def compute(e):
            r16 = row_v[pl.ds(e, _LANES)]
            w16 = w_v[pl.ds(e, _LANES)]
            u0[pl.ds(e, _LANES)] = plsc.load_gather(y0_v, [r16]) * w16
            u1[pl.ds(e, _LANES)] = plsc.load_gather(y1_v, [r16]) * w16
            u2[pl.ds(e, _LANES)] = plsc.load_gather(y2_v, [r16]) * w16
            u3[pl.ds(e, _LANES)] = plsc.load_gather(y3_v, [r16]) * w16

        def scatter(base, width):
            sl = pl.ds(base, width)
            idx = col_v.at[sl]
            pltpu.async_copy(u0.at[sl], s0.at[idx], sem, add=True)
            pltpu.async_copy(u1.at[sl], s1.at[idx], sem, add=True)
            pltpu.async_copy(u2.at[sl], s2.at[idx], sem, add=True)
            pltpu.async_copy(u3.at[sl], s3.at[idx], sem, add=True)

        @pl.loop(0, nfull)
        def _(k):
            @pl.loop(0, _CW, step=_LANES)
            def _(t):
                compute(k * _CW + t)

            scatter(k * _CW, _CW)

        if rem:
            @pl.loop(0, rem, step=_LANES)
            def _(t):
                compute(nfull * _CW + t)

            scatter(nfull * _CW, rem)

        @pl.loop(0, 4 * nfull)
        def _(k):
            pltpu.make_async_copy(w_hbm.at[pl.ds(0, _CW)],
                                  u0.at[pl.ds(0, _CW)], sem).wait()

        if rem:
            for _ in range(4):
                pltpu.make_async_copy(w_hbm.at[pl.ds(0, rem)],
                                      u0.at[pl.ds(0, rem)], sem).wait()

        plsc.subcore_barrier()

        @pl.when(sid == 0)
        def _():
            pltpu.sync_copy(s0, out_hbm.at[cid, 0])
            pltpu.sync_copy(s1, out_hbm.at[cid, 1])

        @pl.when(sid == 1)
        def _():
            pltpu.sync_copy(s2, out_hbm.at[cid, 2])
            pltpu.sync_copy(s3, out_hbm.at[cid, 3])

    kern = pl.kernel(
        body,
        out_type=jax.ShapeDtypeStruct((_NC, hh, n), jnp.float32),
        mesh=_mesh(),
        scratch_types=[
            pltpu.VMEM((n,), jnp.float32),
            pltpu.VMEM((n,), jnp.float32),
            pltpu.VMEM((n,), jnp.float32),
            pltpu.VMEM((n,), jnp.float32),
            pltpu.VMEM((epw,), jnp.int32),
            pltpu.VMEM((epw,), jnp.int32),
            pltpu.VMEM((epw,), jnp.float32),
            pltpu.VMEM((epw,), jnp.float32),
            pltpu.VMEM((epw,), jnp.float32),
            pltpu.VMEM((epw,), jnp.float32),
            pltpu.VMEM((epw,), jnp.float32),
            pltpu.VMEM_SHARED((n,), jnp.float32),
            pltpu.VMEM_SHARED((n,), jnp.float32),
            pltpu.VMEM_SHARED((n,), jnp.float32),
            pltpu.VMEM_SHARED((n,), jnp.float32),
            pltpu.SemaphoreType.DMA,
        ],
        compiler_params=_sc_params(),
    )
    return kern(y0, y1, y2, y3, row_e, col_e, w_e, zeros_n)


def _tail_body(sp_ref, dis_ref, y0_ref, y1_ref, y2_ref, y3_ref,
               w40_ref, vo_ref, gcn_b_ref, out_ref):
    dis = dis_ref[...]
    ys = (y0_ref, y1_ref, y2_ref, y3_ref)
    ncls = out_ref.shape[1]
    acc = None
    for j in range(4):
        hj = jnp.maximum(
            dis * (sp_ref[0, j, :] + sp_ref[1, j, :] + ys[j][...])
            + gcn_b_ref[j], 0.0)
        wj = w40_ref[:, j * ncls:(j + 1) * ncls]
        sj = jnp.dot(hj[None, :], wj, preferred_element_type=jnp.float32)
        acc = sj if acc is None else acc + sj
    out_ref[...] = vo_ref[...] + acc


def _tail(sp, dis, y0, y1, y2, y3, w40, vo, gcn_b):
    b, ncls = vo.shape
    vmem = pl.BlockSpec(memory_space=pltpu.VMEM)
    return pl.pallas_call(
        _tail_body,
        in_specs=[vmem] * 8 + [pl.BlockSpec(memory_space=pltpu.SMEM)],
        out_shape=jax.ShapeDtypeStruct((b, ncls), jnp.float32),
    )(sp, dis, y0, y1, y2, y3, w40, vo, gcn_b)


def kernel(num_x, cat_x, edge_index, edge_weights, vanilla_out,
           emb_W, emb_b, gcn_W, gcn_b, fc_W, fc_b):
    n = num_x.shape[0] + cat_x.shape[0]
    h = gcn_W.shape[1]
    ncls = fc_b.shape[0]
    k0 = vanilla_out.shape[1]

    zeros_n = jnp.zeros((n,), jnp.float32)

    row = edge_index[0]
    col = edge_index[1]
    degp = _deg(col, edge_weights, zeros_n)
    y0, y1, y2, y3, dis, vo = _dense(num_x, cat_x, emb_W, emb_b, gcn_W,
                                     vanilla_out, fc_W[:k0], fc_b, degp)

    sp = _msg(y0, y1, y2, y3, row, col, edge_weights, zeros_n)

    w40 = fc_W[k0:].reshape(n, h * ncls) + 0.0 * degp[0:1, 0:1]
    return _tail(sp, dis, y0, y1, y2, y3, w40, vo, gcn_b)

# --- scband reference (transcript-rebuilt; emitter-appended) ---
"""Pipeline reference for scband-graph-net-41042707480591 (READ-ONLY COPY).

The authoritative reference and input builder live on the scoring server;
editing this copy changes nothing except your own understanding.
"""

import jax, jax.numpy as jnp
import numpy as np

N_CONT = 9974
N_CAT = 26
MAX_CAT = 100
D_FEAT = 128
N_NODES = N_CONT + N_CAT
N_EDGES = 320000
NUM_CLASSES = 10
BATCH = 1024
HIDDEN = 4


def setup_inputs(seed: int = 0) -> dict:
    key = jax.random.key(seed)
    ks = jax.random.split(key, 12)
    num_x = jax.random.normal(ks[0], (N_CONT, D_FEAT), dtype=jnp.float32)
    cat_x = jax.random.uniform(ks[1], (N_CAT, MAX_CAT), dtype=jnp.float32)
    edge_index = jax.random.randint(ks[2], (2, N_EDGES), 0, N_NODES, dtype=jnp.int32)
    edge_weights = jax.random.uniform(ks[3], (N_EDGES,), dtype=jnp.float32)
    vanilla_out = jax.random.normal(ks[4], (BATCH, 2 * NUM_CLASSES), dtype=jnp.float32)
    # learned parameters
    emb_W = jax.random.normal(ks[5], (N_CAT, MAX_CAT, D_FEAT), dtype=jnp.float32) * 0.05
    emb_b = jnp.zeros((N_CAT, D_FEAT), dtype=jnp.float32)
    gcn_W = jax.random.normal(ks[6], (D_FEAT, HIDDEN), dtype=jnp.float32) * 0.05
    gcn_b = jnp.zeros((HIDDEN,), dtype=jnp.float32)
    fc_W = jax.random.normal(ks[7], (N_NODES * HIDDEN + 2 * NUM_CLASSES, NUM_CLASSES), dtype=jnp.float32) * 0.005
    fc_b = jnp.zeros((NUM_CLASSES,), dtype=jnp.float32)
    return {
        "num_x": num_x, "cat_x": cat_x, "edge_index": edge_index,
        "edge_weights": edge_weights, "vanilla_out": vanilla_out,
        "emb_W": emb_W, "emb_b": emb_b, "gcn_W": gcn_W, "gcn_b": gcn_b,
        "fc_W": fc_W, "fc_b": fc_b,
    }


def reference(num_x, cat_x, edge_index, edge_weights, vanilla_out,
              emb_W, emb_b, gcn_W, gcn_b, fc_W, fc_b):
    # per-field Linear(max_cat -> num_features) on each cat feature vector
    cat_emb = jnp.einsum('fc,fcd->fd', cat_x, emb_W) + emb_b  # [N_CAT, D_FEAT]
    x = jnp.concatenate([num_x, cat_emb], axis=0).astype(jnp.float32)  # [N, D_FEAT]
    N = x.shape[0]
    # GCNConv: gcn_norm with self-loops (fill value 1.0)
    loop = jnp.arange(N, dtype=edge_index.dtype)
    row = jnp.concatenate([edge_index[0], loop])
    col = jnp.concatenate([edge_index[1], loop])
    w = jnp.concatenate([edge_weights, jnp.ones((N,), dtype=edge_weights.dtype)])
    deg = jnp.zeros((N,), dtype=x.dtype).at[col].add(w)
    dis = jnp.where(deg > 0, jax.lax.rsqrt(jnp.maximum(deg, 1e-12)), 0.0)
    norm = dis[row] * w * dis[col]
    xw = x @ gcn_W  # [N, 4]
    msg = norm[:, None] * jnp.take(xw, row, axis=0)
    out = jnp.zeros((N, xw.shape[1]), dtype=x.dtype).at[col].add(msg) + gcn_b
    h = jax.nn.relu(out)
    h = h.reshape(1, -1)
    h = jnp.tile(h, (vanilla_out.shape[0], 1))  # [B, N*4]
    z = jnp.concatenate([vanilla_out, h], axis=-1)  # [B, N*4 + 2*num_classes]
    return z @ fc_W + fc_b  # [B, num_classes]

if __name__ == "__main__":
    import jax
    _d = setup_inputs()
    print(jax.jit(kernel)(*tuple(_d.values())))

</pallas_src>

<mosaic_0001>
#map = affine_map<(d0, d1) -> (0)>
#map1 = affine_map<(d0, d1) -> (0, 0)>
module attributes {stable_mosaic.version = 14 : i64} {
  func.func @body(%arg0: i32, %arg1: i32, %arg2: memref<320000xi32, #tpu.memory_space<hbm>>, %arg3: memref<320000xf32, #tpu.memory_space<hbm>>, %arg4: memref<10000xf32, #tpu.memory_space<hbm>>, %arg5: memref<2x10000xf32, #tpu.memory_space<hbm>>, %arg6: memref<10000xi32, #tpu.memory_space<vmem>>, %arg7: memref<10000xf32, #tpu.memory_space<vmem>>, %arg8: memref<10000xf32, #tpu.memory_space<vmem_shared>>, %arg9: memref<!tpu.dma_semaphore, #tpu.memory_space<semaphore_mem>>) attributes {dimension_semantics = [#tpu.dimension_semantics<core_parallel>, #tpu.dimension_semantics<subcore_parallel>], iteration_bounds = array<i64: 2, 16>, scalar_prefetch = 0 : i64, scratch_operands = 4 : i64, tpu.core_type = #tpu.core_type<sc_vector_subcore>, window_params = [{transform_indices = #map}, {transform_indices = #map}, {transform_indices = #map}, {transform_indices = #map1}]} {
    %mul3A = arith.constant 2 : i32
    %mul3A_0 = arith.muli %arg1, %mul3A : i32
    %add3A = arith.addi %mul3A_0, %arg0 : i32
    %eq3A = arith.constant 0 : i32
    %eq3A_1 = arith.cmpi eq, %arg1, %eq3A : i32
    %convert_element_type3A = arith.extui %eq3A_1 : i1 to i32
    %cond3A = arith.constant 0 : i32
    %cond3A_2 = arith.cmpi ne, %convert_element_type3A, %cond3A : i32
    scf.if %cond3A_2 {
      "tpu.region"() ({
        %run_scoped3A = tpu.sem_alloc : memref<!tpu.dma_semaphore, #tpu.memory_space<semaphore_mem>>
        tpu.enqueue_dma source(%arg4 : memref<10000xf32, #tpu.memory_space<hbm>>) target(%arg8 : memref<10000xf32, #tpu.memory_space<vmem_shared>>) target_semaphore(%run_scoped3A : memref<!tpu.dma_semaphore, #tpu.memory_space<semaphore_mem>>)
        tpu.wait_dma2 semaphore(%run_scoped3A : memref<!tpu.dma_semaphore, #tpu.memory_space<semaphore_mem>>) src(%arg4 : memref<10000xf32, #tpu.memory_space<hbm>>) dst(%arg8 : memref<10000xf32, #tpu.memory_space<vmem_shared>>)
        tpu.yield
      }) : () -> ()
    } else {
    }
    %mul3A_3 = arith.constant 10000 : i32
    %mul3A_4 = arith.muli %add3A, %mul3A_3 : i32
    "tpu.region"() ({
      %run_scoped3A = tpu.sem_alloc : memref<!tpu.dma_semaphore, #tpu.memory_space<semaphore_mem>>
      %dma_start3A_34 = tpu.memref_slice %arg2[%mul3A_4] : memref<320000xi32, #tpu.memory_space<hbm>> -> memref<10000xi32, #tpu.memory_space<hbm>>
      %dma_start3A_35 = tpu.memref_slice %arg2[%mul3A_4] : memref<320000xi32, #tpu.memory_space<hbm>> -> memref<10000xi32, #tpu.memory_space<hbm>>
      tpu.enqueue_dma source(%dma_start3A_35 : memref<10000xi32, #tpu.memory_space<hbm>>) target(%arg6 : memref<10000xi32, #tpu.memory_space<vmem>>) target_semaphore(%run_scoped3A : memref<!tpu.dma_semaphore, #tpu.memory_space<semaphore_mem>>)
      %dma_wait3A_36 = tpu.memref_slice %arg2[%mul3A_4] : memref<320000xi32, #tpu.memory_space<hbm>> -> memref<10000xi32, #tpu.memory_space<hbm>>
      %dma_wait3A_37 = tpu.memref_slice %arg2[%mul3A_4] : memref<320000xi32, #tpu.memory_space<hbm>> -> memref<10000xi32, #tpu.memory_space<hbm>>
      tpu.wait_dma2 semaphore(%run_scoped3A : memref<!tpu.dma_semaphore, #tpu.memory_space<semaphore_mem>>) src(%dma_wait3A_37 : memref<10000xi32, #tpu.memory_space<hbm>>) dst(%arg6 : memref<10000xi32, #tpu.memory_space<vmem>>)
      tpu.yield
    }) : () -> ()
    %mul3A_5 = arith.constant 10000 : i32
    %mul3A_6 = arith.muli %add3A, %mul3A_5 : i32
    "tpu.region"() ({
      %run_scoped3A = tpu.sem_alloc : memref<!tpu.dma_semaphore, #tpu.memory_space<semaphore_mem>>
      %dma_start3A_34 = tpu.memref_slice %arg3[%mul3A_6] : memref<320000xf32, #tpu.memory_space<hbm>> -> memref<10000xf32, #tpu.memory_space<hbm>>
      %dma_start3A_35 = tpu.memref_slice %arg3[%mul3A_6] : memref<320000xf32, #tpu.memory_space<hbm>> -> memref<10000xf32, #tpu.memory_space<hbm>>
      tpu.enqueue_dma source(%dma_start3A_35 : memref<10000xf32, #tpu.memory_space<hbm>>) target(%arg7 : memref<10000xf32, #tpu.memory_space<vmem>>) target_semaphore(%run_scoped3A : memref<!tpu.dma_semaphore, #tpu.memory_space<semaphore_mem>>)
      %dma_wait3A_36 = tpu.memref_slice %arg3[%mul3A_6] : memref<320000xf32, #tpu.memory_space<hbm>> -> memref<10000xf32, #tpu.memory_space<hbm>>
      %dma_wait3A_37 = tpu.memref_slice %arg3[%mul3A_6] : memref<320000xf32, #tpu.memory_space<hbm>> -> memref<10000xf32, #tpu.memory_space<hbm>>
      tpu.wait_dma2 semaphore(%run_scoped3A : memref<!tpu.dma_semaphore, #tpu.memory_space<semaphore_mem>>) src(%dma_wait3A_37 : memref<10000xf32, #tpu.memory_space<hbm>>) dst(%arg7 : memref<10000xf32, #tpu.memory_space<vmem>>)
      tpu.yield
    }) : () -> ()
    %barrier3A = arith.constant 0 : index
    tpu.barrier barrier_id(%barrier3A)
    %scan3A = arith.constant 0 : i32
    %scan3A_7 = arith.constant 19 : i32
    %scan3A_8 = arith.addi %scan3A, %scan3A_7 : i32
    %scan3A_9 = arith.constant 1 : i32
    scf.for %scan3A_34 = %scan3A to %scan3A_8 step %scan3A_9  : i32 {
      %mul3A_35 = arith.constant 1 : i32
      %mul3A_36 = arith.muli %scan3A_34, %mul3A_35 : i32
      %add3A_37 = arith.constant 0 : i32
      %add3A_38 = arith.addi %add3A_37, %mul3A_36 : i32
      %mul3A_39 = arith.constant 512 : i32
      %mul3A_40 = arith.muli %add3A_38, %mul3A_39 : i32
      %dma_start3A_41 = tpu.memref_slice %arg7[%mul3A_40] : memref<10000xf32, #tpu.memory_space<vmem>> -> memref<512xf32, #tpu.memory_space<vmem>>
      %dma_start3A_42 = tpu.memref_slice %arg6[%mul3A_40] : memref<10000xi32, #tpu.memory_space<vmem>> -> memref<512xi32, #tpu.memory_space<vmem>>
      %dma_start3A_43 = arith.constant 0 : i32
      %dma_start3A_44 = tpu.memref_slice %arg8[%dma_start3A_43] : memref<10000xf32, #tpu.memory_space<vmem_shared>> -> memref<10000xf32, #tpu.memory_space<vmem_shared>>
      tpu.enqueue_indirect_dma source(%dma_start3A_41 : memref<512xf32, #tpu.memory_space<vmem>>) target(%dma_start3A_44 : memref<10000xf32, #tpu.memory_space<vmem_shared>>) offsets(%dma_start3A_42 : memref<512xi32, #tpu.memory_space<vmem>>) semaphore(%arg9 : memref<!tpu.dma_semaphore, #tpu.memory_space<semaphore_mem>>) {add = true}
    }
    %scan3A_10 = arith.constant 19 : i32
    %dma_start3A = arith.constant 9728 : i32
    %dma_start3A_11 = tpu.memref_slice %arg7[%dma_start3A] : memref<10000xf32, #tpu.memory_space<vmem>> -> memref<272xf32, #tpu.memory_space<vmem>>
    %dma_start3A_12 = arith.constant 9728 : i32
    %dma_start3A_13 = tpu.memref_slice %arg6[%dma_start3A_12] : memref<10000xi32, #tpu.memory_space<vmem>> -> memref<272xi32, #tpu.memory_space<vmem>>
    %dma_start3A_14 = arith.constant 0 : i32
    %dma_start3A_15 = tpu.memref_slice %arg8[%dma_start3A_14] : memref<10000xf32, #tpu.memory_space<vmem_shared>> -> memref<10000xf32, #tpu.memory_space<vmem_shared>>
    tpu.enqueue_indirect_dma source(%dma_start3A_11 : memref<272xf32, #tpu.memory_space<vmem>>) target(%dma_start3A_15 : memref<10000xf32, #tpu.memory_space<vmem_shared>>) offsets(%dma_start3A_13 : memref<272xi32, #tpu.memory_space<vmem>>) semaphore(%arg9 : memref<!tpu.dma_semaphore, #tpu.memory_space<semaphore_mem>>) {add = true}
    %scan3A_16 = arith.constant 0 : i32
    %scan3A_17 = arith.constant 19 : i32
    %scan3A_18 = arith.addi %scan3A_16, %scan3A_17 : i32
    %scan3A_19 = arith.constant 1 : i32
    scf.for %scan3A_34 = %scan3A_16 to %scan3A_18 step %scan3A_19  : i32 {
      %mul3A_35 = arith.constant 1 : i32
      %mul3A_36 = arith.muli %scan3A_34, %mul3A_35 : i32
      %add3A_37 = arith.constant 0 : i32
      %add3A_38 = arith.addi %add3A_37, %mul3A_36 : i32
      %dma_wait3A_39 = arith.constant 0 : i32
      %dma_wait3A_40 = tpu.memref_slice %arg7[%dma_wait3A_39] : memref<10000xf32, #tpu.memory_space<vmem>> -> memref<512xf32, #tpu.memory_space<vmem>>
      %dma_wait3A_41 = arith.constant 0 : i32
      %dma_wait3A_42 = tpu.memref_slice %arg3[%dma_wait3A_41] : memref<320000xf32, #tpu.memory_space<hbm>> -> memref<512xf32, #tpu.memory_space<hbm>>
      %dma_wait3A_43 = arith.constant 0 : i32
      %dma_wait3A_44 = tpu.memref_slice %arg7[%dma_wait3A_43] : memref<10000xf32, #tpu.memory_space<vmem>> -> memref<512xf32, #tpu.memory_space<vmem>>
      %dma_wait3A_45 = arith.constant 0 : i32
      %dma_wait3A_46 = tpu.memref_slice %arg3[%dma_wait3A_45] : memref<320000xf32, #tpu.memory_space<hbm>> -> memref<512xf32, #tpu.memory_space<hbm>>
      tpu.wait_dma2 semaphore(%arg9 : memref<!tpu.dma_semaphore, #tpu.memory_space<semaphore_mem>>) src(%dma_wait3A_46 : memref<512xf32, #tpu.memory_space<hbm>>) dst(%dma_wait3A_44 : memref<512xf32, #tpu.memory_space<vmem>>)
    }
    %scan3A_20 = arith.constant 19 : i32
    %dma_wait3A = arith.constant 0 : i32
    %dma_wait3A_21 = tpu.memref_slice %arg7[%dma_wait3A] : memref<10000xf32, #tpu.memory_space<vmem>> -> memref<272xf32, #tpu.memory_space<vmem>>
    %dma_wait3A_22 = arith.constant 0 : i32
    %dma_wait3A_23 = tpu.memref_slice %arg3[%dma_wait3A_22] : memref<320000xf32, #tpu.memory_space<hbm>> -> memref<272xf32, #tpu.memory_space<hbm>>
    %dma_wait3A_24 = arith.constant 0 : i32
    %dma_wait3A_25 = tpu.memref_slice %arg7[%dma_wait3A_24] : memref<10000xf32, #tpu.memory_space<vmem>> -> memref<272xf32, #tpu.memory_space<vmem>>
    %dma_wait3A_26 = arith.constant 0 : i32
    %dma_wait3A_27 = tpu.memref_slice %arg3[%dma_wait3A_26] : memref<320000xf32, #tpu.memory_space<hbm>> -> memref<272xf32, #tpu.memory_space<hbm>>
    tpu.wait_dma2 semaphore(%arg9 : memref<!tpu.dma_semaphore, #tpu.memory_space<semaphore_mem>>) src(%dma_wait3A_27 : memref<272xf32, #tpu.memory_space<hbm>>) dst(%dma_wait3A_25 : memref<272xf32, #tpu.memory_space<vmem>>)
    %barrier3A_28 = arith.constant 0 : index
    tpu.barrier barrier_id(%barrier3A_28)
    %eq3A_29 = arith.constant 0 : i32
    %eq3A_30 = arith.cmpi eq, %arg1, %eq3A_29 : i32
    %convert_element_type3A_31 = arith.extui %eq3A_30 : i1 to i32
    %cond3A_32 = arith.constant 0 : i32
    %cond3A_33 = arith.cmpi ne, %convert_element_type3A_31, %cond3A_32 : i32
    scf.if %cond3A_33 {
      "tpu.region"() ({
        %run_scoped3A = tpu.sem_alloc : memref<!tpu.dma_semaphore, #tpu.memory_space<semaphore_mem>>
        %dma_start3A_34 = arith.constant 0 : i32
        %dma_start3A_35 = tpu.memref_slice %arg5[%arg0, %dma_start3A_34] : memref<2x10000xf32, #tpu.memory_space<hbm>> -> memref<1x10000xf32, #tpu.memory_space<hbm>>
        %dma_start3A_36 = tpu.memref_squeeze %dma_start3A_35 : memref<1x10000xf32, #tpu.memory_space<hbm>> -> memref<10000xf32, #tpu.memory_space<hbm>>
        tpu.enqueue_dma source(%arg8 : memref<10000xf32, #tpu.memory_space<vmem_shared>>) target(%dma_start3A_36 : memref<10000xf32, #tpu.memory_space<hbm>>) target_semaphore(%run_scoped3A : memref<!tpu.dma_semaphore, #tpu.memory_space<semaphore_mem>>)
        %dma_wait3A_37 = arith.constant 0 : i32
        %dma_wait3A_38 = tpu.memref_slice %arg5[%arg0, %dma_wait3A_37] : memref<2x10000xf32, #tpu.memory_space<hbm>> -> memref<1x10000xf32, #tpu.memory_space<hbm>>
        %dma_wait3A_39 = tpu.memref_squeeze %dma_wait3A_38 : memref<1x10000xf32, #tpu.memory_space<hbm>> -> memref<10000xf32, #tpu.memory_space<hbm>>
        tpu.wait_dma2 semaphore(%run_scoped3A : memref<!tpu.dma_semaphore, #tpu.memory_space<semaphore_mem>>) src(%arg8 : memref<10000xf32, #tpu.memory_space<vmem_shared>>) dst(%dma_wait3A_39 : memref<10000xf32, #tpu.memory_space<hbm>>)
        tpu.yield
      }) : () -> ()
    } else {
    }
    return
  }
}

#map = affine_map<(d0, d1) -> (0)>
#map1 = affine_map<(d0, d1) -> (0, 0, 0)>
module attributes {stable_mosaic.version = 14 : i64} {
  func.func @body(%arg0: i32, %arg1: i32, %arg2: memref<10000xf32, #tpu.memory_space<hbm>>, %arg3: memref<10000xf32, #tpu.memory_space<hbm>>, %arg4: memref<10000xf32, #tpu.memory_space<hbm>>, %arg5: memref<10000xf32, #tpu.memory_space<hbm>>, %arg6: memref<320000xi32, #tpu.memory_space<hbm>>, %arg7: memref<320000xi32, #tpu.memory_space<hbm>>, %arg8: memref<320000xf32, #tpu.memory_space<hbm>>, %arg9: memref<10000xf32, #tpu.memory_space<hbm>>, %arg10: memref<2x4x10000xf32, #tpu.memory_space<hbm>>, %arg11: memref<10000xf32, #tpu.memory_space<vmem>>, %arg12: memref<10000xf32, #tpu.memory_space<vmem>>, %arg13: memref<10000xf32, #tpu.memory_space<vmem>>, %arg14: memref<10000xf32, #tpu.memory_space<vmem>>, %arg15: memref<10000xi32, #tpu.memory_space<vmem>>, %arg16: memref<10000xi32, #tpu.memory_space<vmem>>, %arg17: memref<10000xf32, #tpu.memory_space<vmem>>, %arg18: memref<10000xf32, #tpu.memory_space<vmem>>, %arg19: memref<10000xf32, #tpu.memory_space<vmem>>, %arg20: memref<10000xf32, #tpu.memory_space<vmem>>, %arg21: memref<10000xf32, #tpu.memory_space<vmem>>, %arg22: memref<10000xf32, #tpu.memory_space<vmem_shared>>, %arg23: memref<10000xf32, #tpu.memory_space<vmem_shared>>, %arg24: memref<10000xf32, #tpu.memory_space<vmem_shared>>, %arg25: memref<10000xf32, #tpu.memory_space<vmem_shared>>, %arg26: memref<!tpu.dma_semaphore, #tpu.memory_space<semaphore_mem>>) attributes {dimension_semantics = [#tpu.dimension_semantics<core_parallel>, #tpu.dimension_semantics<subcore_parallel>], iteration_bounds = array<i64: 2, 16>, scalar_prefetch = 0 : i64, scratch_operands = 16 : i64, tpu.core_type = #tpu.core_type<sc_vector_subcore>, window_params = [{transform_indices = #map}, {transform_indices = #map}, {transform_indices = #map}, {transform_indices = #map}, {transform_indices = #map}, {transform_indices = #map}, {transform_indices = #map}, {transform_indices = #map}, {transform_indices = #map1}]} {
    %mul3A = arith.constant 2 : i32
    %mul3A_0 = arith.muli %arg1, %mul3A : i32
    %add3A = arith.addi %mul3A_0, %arg0 : i32
    tpu.enqueue_dma source(%arg2 : memref<10000xf32, #tpu.memory_space<hbm>>) target(%arg11 : memref<10000xf32, #tpu.memory_space<vmem>>) target_semaphore(%arg26 : memref<!tpu.dma_semaphore, #tpu.memory_space<semaphore_mem>>)
    tpu.enqueue_dma source(%arg3 : memref<10000xf32, #tpu.memory_space<hbm>>) target(%arg12 : memref<10000xf32, #tpu.memory_space<vmem>>) target_semaphore(%arg26 : memref<!tpu.dma_semaphore, #tpu.memory_space<semaphore_mem>>)
    tpu.enqueue_dma source(%arg4 : memref<10000xf32, #tpu.memory_space<hbm>>) target(%arg13 : memref<10000xf32, #tpu.memory_space<vmem>>) target_semaphore(%arg26 : memref<!tpu.dma_semaphore, #tpu.memory_space<semaphore_mem>>)
    tpu.enqueue_dma source(%arg5 : memref<10000xf32, #tpu.memory_space<hbm>>) target(%arg14 : memref<10000xf32, #tpu.memory_space<vmem>>) target_semaphore(%arg26 : memref<!tpu.dma_semaphore, #tpu.memory_space<semaphore_mem>>)
    %mul3A_1 = arith.constant 10000 : i32
    %mul3A_2 = arith.muli %add3A, %mul3A_1 : i32
    %dma_start3A = tpu.memref_slice %arg6[%mul3A_2] : memref<320000xi32, #tpu.memory_space<hbm>> -> memref<10000xi32, #tpu.memory_space<hbm>>
    %dma_start3A_3 = tpu.memref_slice %arg6[%mul3A_2] : memref<320000xi32, #tpu.memory_space<hbm>> -> memref<10000xi32, #tpu.memory_space<hbm>>
    tpu.enqueue_dma source(%dma_start3A_3 : memref<10000xi32, #tpu.memory_space<hbm>>) target(%arg15 : memref<10000xi32, #tpu.memory_space<vmem>>) target_semaphore(%arg26 : memref<!tpu.dma_semaphore, #tpu.memory_space<semaphore_mem>>)
    %mul3A_4 = arith.constant 10000 : i32
    %mul3A_5 = arith.muli %add3A, %mul3A_4 : i32
    %dma_start3A_6 = tpu.memref_slice %arg7[%mul3A_5] : memref<320000xi32, #tpu.memory_space<hbm>> -> memref<10000xi32, #tpu.memory_space<hbm>>
    %dma_start3A_7 = tpu.memref_slice %arg7[%mul3A_5] : memref<320000xi32, #tpu.memory_space<hbm>> -> memref<10000xi32, #tpu.memory_space<hbm>>
    tpu.enqueue_dma source(%dma_start3A_7 : memref<10000xi32, #tpu.memory_space<hbm>>) target(%arg16 : memref<10000xi32, #tpu.memory_space<vmem>>) target_semaphore(%arg26 : memref<!tpu.dma_semaphore, #tpu.memory_space<semaphore_mem>>)
    %mul3A_8 = arith.constant 10000 : i32
    %mul3A_9 = arith.muli %add3A, %mul3A_8 : i32
    %dma_start3A_10 = tpu.memref_slice %arg8[%mul3A_9] : memref<320000xf32, #tpu.memory_space<hbm>> -> memref<10000xf32, #tpu.memory_space<hbm>>
    %dma_start3A_11 = tpu.memref_slice %arg8[%mul3A_9] : memref<320000xf32, #tpu.memory_space<hbm>> -> memref<10000xf32, #tpu.memory_space<hbm>>
    tpu.enqueue_dma source(%dma_start3A_11 : memref<10000xf32, #tpu.memory_space<hbm>>) target(%arg17 : memref<10000xf32, #tpu.memory_space<vmem>>) target_semaphore(%arg26 : memref<!tpu.dma_semaphore, #tpu.memory_space<semaphore_mem>>)
    %eq3A = arith.constant 0 : i32
    %eq3A_12 = arith.cmpi eq, %arg1, %eq3A : i32
    %convert_element_type3A = arith.extui %eq3A_12 : i1 to i32
    %cond3A = arith.constant 0 : i32
    %cond3A_13 = arith.cmpi ne, %convert_element_type3A, %cond3A : i32
    scf.if %cond3A_13 {
      "tpu.region"() ({
        %run_scoped3A = tpu.sem_alloc : memref<!tpu.dma_semaphore, #tpu.memory_space<semaphore_mem>>
        tpu.enqueue_dma source(%arg9 : memref<10000xf32, #tpu.memory_space<hbm>>) target(%arg22 : memref<10000xf32, #tpu.memory_space<vmem_shared>>) target_semaphore(%run_scoped3A : memref<!tpu.dma_semaphore, #tpu.memory_space<semaphore_mem>>)
        tpu.wait_dma2 semaphore(%run_scoped3A : memref<!tpu.dma_semaphore, #tpu.memory_space<semaphore_mem>>) src(%arg9 : memref<10000xf32, #tpu.memory_space<hbm>>) dst(%arg22 : memref<10000xf32, #tpu.memory_space<vmem_shared>>)
        tpu.yield
      }) : () -> ()
      "tpu.region"() ({
        %run_scoped3A = tpu.sem_alloc : memref<!tpu.dma_semaphore, #tpu.memory_space<semaphore_mem>>
        tpu.enqueue_dma source(%arg9 : memref<10000xf32, #tpu.memory_space<hbm>>) target(%arg23 : memref<10000xf32, #tpu.memory_space<vmem_shared>>) target_semaphore(%run_scoped3A : memref<!tpu.dma_semaphore, #tpu.memory_space<semaphore_mem>>)
        tpu.wait_dma2 semaphore(%run_scoped3A : memref<!tpu.dma_semaphore, #tpu.memory_space<semaphore_mem>>) src(%arg9 : memref<10000xf32, #tpu.memory_space<hbm>>) dst(%arg23 : memref<10000xf32, #tpu.memory_space<vmem_shared>>)
        tpu.yield
      }) : () -> ()
    } else {
    }
    %eq3A_14 = arith.constant 1 : i32
    %eq3A_15 = arith.cmpi eq, %arg1, %eq3A_14 : i32
    %convert_element_type3A_16 = arith.extui %eq3A_15 : i1 to i32
    %cond3A_17 = arith.constant 0 : i32
    %cond3A_18 = arith.cmpi ne, %convert_element_type3A_16, %cond3A_17 : i32
    scf.if %cond3A_18 {
      "tpu.region"() ({
        %run_scoped3A = tpu.sem_alloc : memref<!tpu.dma_semaphore, #tpu.memory_space<semaphore_mem>>
        tpu.enqueue_dma source(%arg9 : memref<10000xf32, #tpu.memory_space<hbm>>) target(%arg24 : memref<10000xf32, #tpu.memory_space<vmem_shared>>) target_semaphore(%run_scoped3A : memref<!tpu.dma_semaphore, #tpu.memory_space<semaphore_mem>>)
        tpu.wait_dma2 semaphore(%run_scoped3A : memref<!tpu.dma_semaphore, #tpu.memory_space<semaphore_mem>>) src(%arg9 : memref<10000xf32, #tpu.memory_space<hbm>>) dst(%arg24 : memref<10000xf32, #tpu.memory_space<vmem_shared>>)
        tpu.yield
      }) : () -> ()
      "tpu.region"() ({
        %run_scoped3A = tpu.sem_alloc : memref<!tpu.dma_semaphore, #tpu.memory_space<semaphore_mem>>
        tpu.enqueue_dma source(%arg9 : memref<10000xf32, #tpu.memory_space<hbm>>) target(%arg25 : memref<10000xf32, #tpu.memory_space<vmem_shared>>) target_semaphore(%run_scoped3A : memref<!tpu.dma_semaphore, #tpu.memory_space<semaphore_mem>>)
        tpu.wait_dma2 semaphore(%run_scoped3A : memref<!tpu.dma_semaphore, #tpu.memory_space<semaphore_mem>>) src(%arg9 : memref<10000xf32, #tpu.memory_space<hbm>>) dst(%arg25 : memref<10000xf32, #tpu.memory_space<vmem_shared>>)
        tpu.yield
      }) : () -> ()
    } else {
    }
    tpu.wait_dma2 semaphore(%arg26 : memref<!tpu.dma_semaphore, #tpu.memory_space<semaphore_mem>>) src(%arg2 : memref<10000xf32, #tpu.memory_space<hbm>>) dst(%arg11 : memref<10000xf32, #tpu.memory_space<vmem>>)
    tpu.wait_dma2 semaphore(%arg26 : memref<!tpu.dma_semaphore, #tpu.memory_space<semaphore_mem>>) src(%arg3 : memref<10000xf32, #tpu.memory_space<hbm>>) dst(%arg12 : memref<10000xf32, #tpu.memory_space<vmem>>)
    tpu.wait_dma2 semaphore(%arg26 : memref<!tpu.dma_semaphore, #tpu.memory_space<semaphore_mem>>) src(%arg4 : memref<10000xf32, #tpu.memory_space<hbm>>) dst(%arg13 : memref<10000xf32, #tpu.memory_space<vmem>>)
    tpu.wait_dma2 semaphore(%arg26 : memref<!tpu.dma_semaphore, #tpu.memory_space<semaphore_mem>>) src(%arg5 : memref<10000xf32, #tpu.memory_space<hbm>>) dst(%arg14 : memref<10000xf32, #tpu.memory_space<vmem>>)
    %dma_wait3A = tpu.memref_slice %arg6[%mul3A_2] : memref<320000xi32, #tpu.memory_space<hbm>> -> memref<10000xi32, #tpu.memory_space<hbm>>
    %dma_wait3A_19 = tpu.memref_slice %arg6[%mul3A_2] : memref<320000xi32, #tpu.memory_space<hbm>> -> memref<10000xi32, #tpu.memory_space<hbm>>
    tpu.wait_dma2 semaphore(%arg26 : memref<!tpu.dma_semaphore, #tpu.memory_space<semaphore_mem>>) src(%dma_wait3A_19 : memref<10000xi32, #tpu.memory_space<hbm>>) dst(%arg15 : memref<10000xi32, #tpu.memory_space<vmem>>)
    %dma_wait3A_20 = tpu.memref_slice %arg7[%mul3A_5] : memref<320000xi32, #tpu.memory_space<hbm>> -> memref<10000xi32, #tpu.memory_space<hbm>>
    %dma_wait3A_21 = tpu.memref_slice %arg7[%mul3A_5] : memref<320000xi32, #tpu.memory_space<hbm>> -> memref<10000xi32, #tpu.memory_space<hbm>>
    tpu.wait_dma2 semaphore(%arg26 : memref<!tpu.dma_semaphore, #tpu.memory_space<semaphore_mem>>) src(%dma_wait3A_21 : memref<10000xi32, #tpu.memory_space<hbm>>) dst(%arg16 : memref<10000xi32, #tpu.memory_space<vmem>>)
    %dma_wait3A_22 = tpu.memref_slice %arg8[%mul3A_9] : memref<320000xf32, #tpu.memory_space<hbm>> -> memref<10000xf32, #tpu.memory_space<hbm>>
    %dma_wait3A_23 = tpu.memref_slice %arg8[%mul3A_9] : memref<320000xf32, #tpu.memory_space<hbm>> -> memref<10000xf32, #tpu.memory_space<hbm>>
    tpu.wait_dma2 semaphore(%arg26 : memref<!tpu.dma_semaphore, #tpu.memory_space<semaphore_mem>>) src(%dma_wait3A_23 : memref<10000xf32, #tpu.memory_space<hbm>>) dst(%arg17 : memref<10000xf32, #tpu.memory_space<vmem>>)
    %barrier3A = arith.constant 0 : index
    tpu.barrier barrier_id(%barrier3A)
    %scan3A = arith.constant 0 : i32
    %scan3A_24 = arith.constant 19 : i32
    %scan3A_25 = arith.addi %scan3A, %scan3A_24 : i32
    %scan3A_26 = arith.constant 1 : i32
    scf.for %scan3A_105 = %scan3A to %scan3A_25 step %scan3A_26  : i32 {
      %mul3A_106 = arith.constant 1 : i32
      %mul3A_107 = arith.muli %scan3A_105, %mul3A_106 : i32
      %add3A_108 = arith.constant 0 : i32
      %add3A_109 = arith.addi %add3A_108, %mul3A_107 : i32
      %scan3A_110 = arith.constant 0 : i32
      %scan3A_111 = arith.constant 32 : i32
      %scan3A_112 = arith.addi %scan3A_110, %scan3A_111 : i32
      %scan3A_113 = arith.constant 1 : i32
      scf.for %scan3A_133 = %scan3A_110 to %scan3A_112 step %scan3A_113  : i32 {
        %mul3A_134 = arith.constant 16 : i32
        %mul3A_135 = arith.muli %scan3A_133, %mul3A_134 : i32
        %add3A_136 = arith.constant 0 : i32
        %add3A_137 = arith.addi %add3A_136, %mul3A_135 : i32
        %mul3A_138 = arith.constant 512 : i32
        %mul3A_139 = arith.muli %add3A_109, %mul3A_138 : i32
        %add3A_140 = arith.addi %mul3A_139, %add3A_137 : i32
        %get3A = arith.index_cast %add3A_140 : i32 to index
        %get3A_141 = tpu.vector_load %arg15[%get3A] {strides = array<i32>} : memref<10000xi32, #tpu.memory_space<vmem>>, vector<16xi32>,
        %get3A_142 = arith.index_cast %add3A_140 : i32 to index
        %get3A_143 = tpu.vector_load %arg17[%get3A_142] {strides = array<i32>} : memref<10000xf32, #tpu.memory_space<vmem>>, vector<16xf32>,
        %gather3A = tpu.vector_load_idx %arg11[%get3A_141] : memref<10000xf32, #tpu.memory_space<vmem>>[vector<16xi32>], vector<16xf32>,
        %mul3A_144 = arith.mulf %gather3A, %get3A_143 : vector<16xf32>
        %swap3A = arith.index_cast %add3A_140 : i32 to index
        %swap3A_145 = tpu.vector_load %arg18[%swap3A] {strides = array<i32>} : memref<10000xf32, #tpu.memory_space<vmem>>, vector<16xf32>,
        tpu.vector_store %arg18[%swap3A], %mul3A_144 {strides = array<i32>} : memref<10000xf32, #tpu.memory_space<vmem>>, vector<16xf32>,
        %gather3A_146 = tpu.vector_load_idx %arg12[%get3A_141] : memref<10000xf32, #tpu.memory_space<vmem>>[vector<16xi32>], vector<16xf32>,
        %mul3A_147 = arith.mulf %gather3A_146, %get3A_143 : vector<16xf32>
        %swap3A_148 = arith.index_cast %add3A_140 : i32 to index
        %swap3A_149 = tpu.vector_load %arg19[%swap3A_148] {strides = array<i32>} : memref<10000xf32, #tpu.memory_space<vmem>>, vector<16xf32>,
        tpu.vector_store %arg19[%swap3A_148], %mul3A_147 {strides = array<i32>} : memref<10000xf32, #tpu.memory_space<vmem>>, vector<16xf32>,
        %gather3A_150 = tpu.vector_load_idx %arg13[%get3A_141] : memref<10000xf32, #tpu.memory_space<vmem>>[vector<16xi32>], vector<16xf32>,
        %mul3A_151 = arith.mulf %gather3A_150, %get3A_143 : vector<16xf32>
        %swap3A_152 = arith.index_cast %add3A_140 : i32 to index
        %swap3A_153 = tpu.vector_load %arg20[%swap3A_152] {strides = array<i32>} : memref<10000xf32, #tpu.memory_space<vmem>>, vector<16xf32>,
        tpu.vector_store %arg20[%swap3A_152], %mul3A_151 {strides = array<i32>} : memref<10000xf32, #tpu.memory_space<vmem>>, vector<16xf32>,
        %gather3A_154 = tpu.vector_load_idx %arg14[%get3A_141] : memref<10000xf32, #tpu.memory_space<vmem>>[vector<16xi32>], vector<16xf32>,
        %mul3A_155 = arith.mulf %gather3A_154, %get3A_143 : vector<16xf32>
        %swap3A_156 = arith.index_cast %add3A_140 : i32 to index
        %swap3A_157 = tpu.vector_load %arg21[%swap3A_156] {strides = array<i32>} : memref<10000xf32, #tpu.memory_space<vmem>>, vector<16xf32>,
        tpu.vector_store %arg21[%swap3A_156], %mul3A_155 {strides = array<i32>} : memref<10000xf32, #tpu.memory_space<vmem>>, vector<16xf32>,
      }
      %scan3A_114 = arith.constant 32 : i32
      %mul3A_115 = arith.constant 512 : i32
      %mul3A_116 = arith.muli %add3A_109, %mul3A_115 : i32
      %dma_start3A_117 = tpu.memref_slice %arg18[%mul3A_116] : memref<10000xf32, #tpu.memory_space<vmem>> -> memref<512xf32, #tpu.memory_space<vmem>>
      %dma_start3A_118 = tpu.memref_slice %arg16[%mul3A_116] : memref<10000xi32, #tpu.memory_space<vmem>> -> memref<512xi32, #tpu.memory_space<vmem>>
      %dma_start3A_119 = arith.constant 0 : i32
      %dma_start3A_120 = tpu.memref_slice %arg22[%dma_start3A_119] : memref<10000xf32, #tpu.memory_space<vmem_shared>> -> memref<10000xf32, #tpu.memory_space<vmem_shared>>
      tpu.enqueue_indirect_dma source(%dma_start3A_117 : memref<512xf32, #tpu.memory_space<vmem>>) target(%dma_start3A_120 : memref<10000xf32, #tpu.memory_space<vmem_shared>>) offsets(%dma_start3A_118 : memref<512xi32, #tpu.memory_space<vmem>>) semaphore(%arg26 : memref<!tpu.dma_semaphore, #tpu.memory_space<semaphore_mem>>) {add = true}
      %dma_start3A_121 = tpu.memref_slice %arg19[%mul3A_116] : memref<10000xf32, #tpu.memory_space<vmem>> -> memref<512xf32, #tpu.memory_space<vmem>>
      %dma_start3A_122 = tpu.memref_slice %arg16[%mul3A_116] : memref<10000xi32, #tpu.memory_space<vmem>> -> memref<512xi32, #tpu.memory_space<vmem>>
      %dma_start3A_123 = arith.constant 0 : i32
      %dma_start3A_124 = tpu.memref_slice %arg23[%dma_start3A_123] : memref<10000xf32, #tpu.memory_space<vmem_shared>> -> memref<10000xf32, #tpu.memory_space<vmem_shared>>
      tpu.enqueue_indirect_dma source(%dma_start3A_121 : memref<512xf32, #tpu.memory_space<vmem>>) target(%dma_start3A_124 : memref<10000xf32, #tpu.memory_space<vmem_shared>>) offsets(%dma_start3A_122 : memref<512xi32, #tpu.memory_space<vmem>>) semaphore(%arg26 : memref<!tpu.dma_semaphore, #tpu.memory_space<semaphore_mem>>) {add = true}
      %dma_start3A_125 = tpu.memref_slice %arg20[%mul3A_116] : memref<10000xf32, #tpu.memory_space<vmem>> -> memref<512xf32, #tpu.memory_space<vmem>>
      %dma_start3A_126 = tpu.memref_slice %arg16[%mul3A_116] : memref<10000xi32, #tpu.memory_space<vmem>> -> memref<512xi32, #tpu.memory_space<vmem>>
      %dma_start3A_127 = arith.constant 0 : i32
      %dma_start3A_128 = tpu.memref_slice %arg24[%dma_start3A_127] : memref<10000xf32, #tpu.memory_space<vmem_shared>> -> memref<10000xf32, #tpu.memory_space<vmem_shared>>
      tpu.enqueue_indirect_dma source(%dma_start3A_125 : memref<512xf32, #tpu.memory_space<vmem>>) target(%dma_start3A_128 : memref<10000xf32, #tpu.memory_space<vmem_shared>>) offsets(%dma_start3A_126 : memref<512xi32, #tpu.memory_space<vmem>>) semaphore(%arg26 : memref<!tpu.dma_semaphore, #tpu.memory_space<semaphore_mem>>) {add = true}
      %dma_start3A_129 = tpu.memref_slice %arg21[%mul3A_116] : memref<10000xf32, #tpu.memory_space<vmem>> -> memref<512xf32, #tpu.memory_space<vmem>>
      %dma_start3A_130 = tpu.memref_slice %arg16[%mul3A_116] : memref<10000xi32, #tpu.memory_space<vmem>> -> memref<512xi32, #tpu.memory_space<vmem>>
      %dma_start3A_131 = arith.constant 0 : i32
      %dma_start3A_132 = tpu.memref_slice %arg25[%dma_start3A_131] : memref<10000xf32, #tpu.memory_space<vmem_shared>> -> memref<10000xf32, #tpu.memory_space<vmem_shared>>
      tpu.enqueue_indirect_dma source(%dma_start3A_129 : memref<512xf32, #tpu.memory_space<vmem>>) target(%dma_start3A_132 : memref<10000xf32, #tpu.memory_space<vmem_shared>>) offsets(%dma_start3A_130 : memref<512xi32, #tpu.memory_space<vmem>>) semaphore(%arg26 : memref<!tpu.dma_semaphore, #tpu.memory_space<semaphore_mem>>) {add = true}
    }
    %scan3A_27 = arith.constant 19 : i32
    %scan3A_28 = arith.constant 0 : i32
    %scan3A_29 = arith.constant 17 : i32
    %scan3A_30 = arith.addi %scan3A_28, %scan3A_29 : i32
    %scan3A_31 = arith.constant 1 : i32
    scf.for %scan3A_105 = %scan3A_28 to %scan3A_30 step %scan3A_31  : i32 {
      %mul3A_106 = arith.constant 16 : i32
      %mul3A_107 = arith.muli %scan3A_105, %mul3A_106 : i32
      %add3A_108 = arith.constant 0 : i32
      %add3A_109 = arith.addi %add3A_108, %mul3A_107 : i32
      %add3A_110 = arith.constant 9728 : i32
      %add3A_111 = arith.addi %add3A_110, %add3A_109 : i32
      %get3A = arith.index_cast %add3A_111 : i32 to index
      %get3A_112 = tpu.vector_load %arg15[%get3A] {strides = array<i32>} : memref<10000xi32, #tpu.memory_space<vmem>>, vector<16xi32>,
      %get3A_113 = arith.index_cast %add3A_111 : i32 to index
      %get3A_114 = tpu.vector_load %arg17[%get3A_113] {strides = array<i32>} : memref<10000xf32, #tpu.memory_space<vmem>>, vector<16xf32>,
      %gather3A = tpu.vector_load_idx %arg11[%get3A_112] : memref<10000xf32, #tpu.memory_space<vmem>>[vector<16xi32>], vector<16xf32>,
      %mul3A_115 = arith.mulf %gather3A, %get3A_114 : vector<16xf32>
      %swap3A = arith.index_cast %add3A_111 : i32 to index
      %swap3A_116 = tpu.vector_load %arg18[%swap3A] {strides = array<i32>} : memref<10000xf32, #tpu.memory_space<vmem>>, vector<16xf32>,
      tpu.vector_store %arg18[%swap3A], %mul3A_115 {strides = array<i32>} : memref<10000xf32, #tpu.memory_space<vmem>>, vector<16xf32>,
      %gather3A_117 = tpu.vector_load_idx %arg12[%get3A_112] : memref<10000xf32, #tpu.memory_space<vmem>>[vector<16xi32>], vector<16xf32>,
      %mul3A_118 = arith.mulf %gather3A_117, %get3A_114 : vector<16xf32>
      %swap3A_119 = arith.index_cast %add3A_111 : i32 to index
      %swap3A_120 = tpu.vector_load %arg19[%swap3A_119] {strides = array<i32>} : memref<10000xf32, #tpu.memory_space<vmem>>, vector<16xf32>,
      tpu.vector_store %arg19[%swap3A_119], %mul3A_118 {strides = array<i32>} : memref<10000xf32, #tpu.memory_space<vmem>>, vector<16xf32>,
      %gather3A_121 = tpu.vector_load_idx %arg13[%get3A_112] : memref<10000xf32, #tpu.memory_space<vmem>>[vector<16xi32>], vector<16xf32>,
      %mul3A_122 = arith.mulf %gather3A_121, %get3A_114 : vector<16xf32>
      %swap3A_123 = arith.index_cast %add3A_111 : i32 to index
      %swap3A_124 = tpu.vector_load %arg20[%swap3A_123] {strides = array<i32>} : memref<10000xf32, #tpu.memory_space<vmem>>, vector<16xf32>,
      tpu.vector_store %arg20[%swap3A_123], %mul3A_122 {strides = array<i32>} : memref<10000xf32, #tpu.memory_space<vmem>>, vector<16xf32>,
      %gather3A_125 = tpu.vector_load_idx %arg14[%get3A_112] : memref<10000xf32, #tpu.memory_space<vmem>>[vector<16xi32>], vector<16xf32>,
      %mul3A_126 = arith.mulf %gather3A_125, %get3A_114 : vector<16xf32>
      %swap3A_127 = arith.index_cast %add3A_111 : i32 to index
      %swap3A_128 = tpu.vector_load %arg21[%swap3A_127] {strides = array<i32>} : memref<10000xf32, #tpu.memory_space<vmem>>, vector<16xf32>,
      tpu.vector_store %arg21[%swap3A_127], %mul3A_126 {strides = array<i32>} : memref<10000xf32, #tpu.memory_space<vmem>>, vector<16xf32>,
    }
    %scan3A_32 = arith.constant 17 : i32
    %dma_start3A_33 = arith.constant 9728 : i32
    %dma_start3A_34 = tpu.memref_slice %arg18[%dma_start3A_33] : memref<10000xf32, #tpu.memory_space<vmem>> -> memref<272xf32, #tpu.memory_space<vmem>>
    %dma_start3A_35 = arith.constant 9728 : i32
    %dma_start3A_36 = tpu.memref_slice %arg16[%dma_start3A_35] : memref<10000xi32, #tpu.memory_space<vmem>> -> memref<272xi32, #tpu.memory_space<vmem>>
    %dma_start3A_37 = arith.constant 0 : i32
    %dma_start3A_38 = tpu.memref_slice %arg22[%dma_start3A_37] : memref<10000xf32, #tpu.memory_space<vmem_shared>> -> memref<10000xf32, #tpu.memory_space<vmem_shared>>
    tpu.enqueue_indirect_dma source(%dma_start3A_34 : memref<272xf32, #tpu.memory_space<vmem>>) target(%dma_start3A_38 : memref<10000xf32, #tpu.memory_space<vmem_shared>>) offsets(%dma_start3A_36 : memref<272xi32, #tpu.memory_space<vmem>>) semaphore(%arg26 : memref<!tpu.dma_semaphore, #tpu.memory_space<semaphore_mem>>) {add = true}
    %dma_start3A_39 = arith.constant 9728 : i32
    %dma_start3A_40 = tpu.memref_slice %arg19[%dma_start3A_39] : memref<10000xf32, #tpu.memory_space<vmem>> -> memref<272xf32, #tpu.memory_space<vmem>>
    %dma_start3A_41 = arith.constant 9728 : i32
    %dma_start3A_42 = tpu.memref_slice %arg16[%dma_start3A_41] : memref<10000xi32, #tpu.memory_space<vmem>> -> memref<272xi32, #tpu.memory_space<vmem>>
    %dma_start3A_43 = arith.constant 0 : i32
    %dma_start3A_44 = tpu.memref_slice %arg23[%dma_start3A_43] : memref<10000xf32, #tpu.memory_space<vmem_shared>> -> memref<10000xf32, #tpu.memory_space<vmem_shared>>
    tpu.enqueue_indirect_dma source(%dma_start3A_40 : memref<272xf32, #tpu.memory_space<vmem>>) target(%dma_start3A_44 : memref<10000xf32, #tpu.memory_space<vmem_shared>>) offsets(%dma_start3A_42 : memref<272xi32, #tpu.memory_space<vmem>>) semaphore(%arg26 : memref<!tpu.dma_semaphore, #tpu.memory_space<semaphore_mem>>) {add = true}
    %dma_start3A_45 = arith.constant 9728 : i32
    %dma_start3A_46 = tpu.memref_slice %arg20[%dma_start3A_45] : memref<10000xf32, #tpu.memory_space<vmem>> -> memref<272xf32, #tpu.memory_space<vmem>>
    %dma_start3A_47 = arith.constant 9728 : i32
    %dma_start3A_48 = tpu.memref_slice %arg16[%dma_start3A_47] : memref<10000xi32, #tpu.memory_space<vmem>> -> memref<272xi32, #tpu.memory_space<vmem>>
    %dma_start3A_49 = arith.constant 0 : i32
    %dma_start3A_50 = tpu.memref_slice %arg24[%dma_start3A_49] : memref<10000xf32, #tpu.memory_space<vmem_shared>> -> memref<10000xf32, #tpu.memory_space<vmem_shared>>
    tpu.enqueue_indirect_dma source(%dma_start3A_46 : memref<272xf32, #tpu.memory_space<vmem>>) target(%dma_start3A_50 : memref<10000xf32, #tpu.memory_space<vmem_shared>>) offsets(%dma_start3A_48 : memref<272xi32, #tpu.memory_space<vmem>>) semaphore(%arg26 : memref<!tpu.dma_semaphore, #tpu.memory_space<semaphore_mem>>) {add = true}
    %dma_start3A_51 = arith.constant 9728 : i32
    %dma_start3A_52 = tpu.memref_slice %arg21[%dma_start3A_51] : memref<10000xf32, #tpu.memory_space<vmem>> -> memref<272xf32, #tpu.memory_space<vmem>>
    %dma_start3A_53 = arith.constant 9728 : i32
    %dma_start3A_54 = tpu.memref_slice %arg16[%dma_start3A_53] : memref<10000xi32, #tpu.memory_space<vmem>> -> memref<272xi32, #tpu.memory_space<vmem>>
    %dma_start3A_55 = arith.constant 0 : i32
    %dma_start3A_56 = tpu.memref_slice %arg25[%dma_start3A_55] : memref<10000xf32, #tpu.memory_space<vmem_shared>> -> memref<10000xf32, #tpu.memory_space<vmem_shared>>
    tpu.enqueue_indirect_dma source(%dma_start3A_52 : memref<272xf32, #tpu.memory_space<vmem>>) target(%dma_start3A_56 : memref<10000xf32, #tpu.memory_space<vmem_shared>>) offsets(%dma_start3A_54 : memref<272xi32, #tpu.memory_space<vmem>>) semaphore(%arg26 : memref<!tpu.dma_semaphore, #tpu.memory_space<semaphore_mem>>) {add = true}
    %scan3A_57 = arith.constant 0 : i32
    %scan3A_58 = arith.constant 76 : i32
    %scan3A_59 = arith.addi %scan3A_57, %scan3A_58 : i32
    %scan3A_60 = arith.constant 1 : i32
    scf.for %scan3A_105 = %scan3A_57 to %scan3A_59 step %scan3A_60  : i32 {
      %mul3A_106 = arith.constant 1 : i32
      %mul3A_107 = arith.muli %scan3A_105, %mul3A_106 : i32
      %add3A_108 = arith.constant 0 : i32
      %add3A_109 = arith.addi %add3A_108, %mul3A_107 : i32
      %dma_wait3A_110 = arith.constant 0 : i32
      %dma_wait3A_111 = tpu.memref_slice %arg18[%dma_wait3A_110] : memref<10000xf32, #tpu.memory_space<vmem>> -> memref<512xf32, #tpu.memory_space<vmem>>
      %dma_wait3A_112 = arith.constant 0 : i32
      %dma_wait3A_113 = tpu.memref_slice %arg8[%dma_wait3A_112] : memref<320000xf32, #tpu.memory_space<hbm>> -> memref<512xf32, #tpu.memory_space<hbm>>
      %dma_wait3A_114 = arith.constant 0 : i32
      %dma_wait3A_115 = tpu.memref_slice %arg18[%dma_wait3A_114] : memref<10000xf32, #tpu.memory_space<vmem>> -> memref<512xf32, #tpu.memory_space<vmem>>
      %dma_wait3A_116 = arith.constant 0 : i32
      %dma_wait3A_117 = tpu.memref_slice %arg8[%dma_wait3A_116] : memref<320000xf32, #tpu.memory_space<hbm>> -> memref<512xf32, #tpu.memory_space<hbm>>
      tpu.wait_dma2 semaphore(%arg26 : memref<!tpu.dma_semaphore, #tpu.memory_space<semaphore_mem>>) src(%dma_wait3A_117 : memref<512xf32, #tpu.memory_space<hbm>>) dst(%dma_wait3A_115 : memref<512xf32, #tpu.memory_space<vmem>>)
    }
    %scan3A_61 = arith.constant 76 : i32
    %dma_wait3A_62 = arith.constant 0 : i32
    %dma_wait3A_63 = tpu.memref_slice %arg18[%dma_wait3A_62] : memref<10000xf32, #tpu.memory_space<vmem>> -> memref<272xf32, #tpu.memory_space<vmem>>
    %dma_wait3A_64 = arith.constant 0 : i32
    %dma_wait3A_65 = tpu.memref_slice %arg8[%dma_wait3A_64] : memref<320000xf32, #tpu.memory_space<hbm>> -> memref<272xf32, #tpu.memory_space<hbm>>
    %dma_wait3A_66 = arith.constant 0 : i32
    %dma_wait3A_67 = tpu.memref_slice %arg18[%dma_wait3A_66] : memref<10000xf32, #tpu.memory_space<vmem>> -> memref<272xf32, #tpu.memory_space<vmem>>
    %dma_wait3A_68 = arith.constant 0 : i32
    %dma_wait3A_69 = tpu.memref_slice %arg8[%dma_wait3A_68] : memref<320000xf32, #tpu.memory_space<hbm>> -> memref<272xf32, #tpu.memory_space<hbm>>
    tpu.wait_dma2 semaphore(%arg26 : memref<!tpu.dma_semaphore, #tpu.memory_space<semaphore_mem>>) src(%dma_wait3A_69 : memref<272xf32, #tpu.memory_space<hbm>>) dst(%dma_wait3A_67 : memref<272xf32, #tpu.memory_space<vmem>>)
    %dma_wait3A_70 = arith.constant 0 : i32
    %dma_wait3A_71 = tpu.memref_slice %arg18[%dma_wait3A_70] : memref<10000xf32, #tpu.memory_space<vmem>> -> memref<272xf32, #tpu.memory_space<vmem>>
    %dma_wait3A_72 = arith.constant 0 : i32
    %dma_wait3A_73 = tpu.memref_slice %arg8[%dma_wait3A_72] : memref<320000xf32, #tpu.memory_space<hbm>> -> memref<272xf32, #tpu.memory_space<hbm>>
    %dma_wait3A_74 = arith.constant 0 : i32
    %dma_wait3A_75 = tpu.memref_slice %arg18[%dma_wait3A_74] : memref<10000xf32, #tpu.memory_space<vmem>> -> memref<272xf32, #tpu.memory_space<vmem>>
    %dma_wait3A_76 = arith.constant 0 : i32
    %dma_wait3A_77 = tpu.memref_slice %arg8[%dma_wait3A_76] : memref<320000xf32, #tpu.memory_space<hbm>> -> memref<272xf32, #tpu.memory_space<hbm>>
    tpu.wait_dma2 semaphore(%arg26 : memref<!tpu.dma_semaphore, #tpu.memory_space<semaphore_mem>>) src(%dma_wait3A_77 : memref<272xf32, #tpu.memory_space<hbm>>) dst(%dma_wait3A_75 : memref<272xf32, #tpu.memory_space<vmem>>)
    %dma_wait3A_78 = arith.constant 0 : i32
    %dma_wait3A_79 = tpu.memref_slice %arg18[%dma_wait3A_78] : memref<10000xf32, #tpu.memory_space<vmem>> -> memref<272xf32, #tpu.memory_space<vmem>>
    %dma_wait3A_80 = arith.constant 0 : i32
    %dma_wait3A_81 = tpu.memref_slice %arg8[%dma_wait3A_80] : memref<320000xf32, #tpu.memory_space<hbm>> -> memref<272xf32, #tpu.memory_space<hbm>>
    %dma_wait3A_82 = arith.constant 0 : i32
    %dma_wait3A_83 = tpu.memref_slice %arg18[%dma_wait3A_82] : memref<10000xf32, #tpu.memory_space<vmem>> -> memref<272xf32, #tpu.memory_space<vmem>>
    %dma_wait3A_84 = arith.constant 0 : i32
    %dma_wait3A_85 = tpu.memref_slice %arg8[%dma_wait3A_84] : memref<320000xf32, #tpu.memory_space<hbm>> -> memref<272xf32, #tpu.memory_space<hbm>>
    tpu.wait_dma2 semaphore(%arg26 : memref<!tpu.dma_semaphore, #tpu.memory_space<semaphore_mem>>) src(%dma_wait3A_85 : memref<272xf32, #tpu.memory_space<hbm>>) dst(%dma_wait3A_83 : memref<272xf32, #tpu.memory_space<vmem>>)
    %dma_wait3A_86 = arith.constant 0 : i32
    %dma_wait3A_87 = tpu.memref_slice %arg18[%dma_wait3A_86] : memref<10000xf32, #tpu.memory_space<vmem>> -> memref<272xf32, #tpu.memory_space<vmem>>
    %dma_wait3A_88 = arith.constant 0 : i32
    %dma_wait3A_89 = tpu.memref_slice %arg8[%dma_wait3A_88] : memref<320000xf32, #tpu.memory_space<hbm>> -> memref<272xf32, #tpu.memory_space<hbm>>
    %dma_wait3A_90 = arith.constant 0 : i32
    %dma_wait3A_91 = tpu.memref_slice %arg18[%dma_wait3A_90] : memref<10000xf32, #tpu.memory_space<vmem>> -> memref<272xf32, #tpu.memory_space<vmem>>
    %dma_wait3A_92 = arith.constant 0 : i32
    %dma_wait3A_93 = tpu.memref_slice %arg8[%dma_wait3A_92] : memref<320000xf32, #tpu.memory_space<hbm>> -> memref<272xf32, #tpu.memory_space<hbm>>
    tpu.wait_dma2 semaphore(%arg26 : memref<!tpu.dma_semaphore, #tpu.memory_space<semaphore_mem>>) src(%dma_wait3A_93 : memref<272xf32, #tpu.memory_space<hbm>>) dst(%dma_wait3A_91 : memref<272xf32, #tpu.memory_space<vmem>>)
    %barrier3A_94 = arith.constant 0 : index
    tpu.barrier barrier_id(%barrier3A_94)
    %eq3A_95 = arith.constant 0 : i32
    %eq3A_96 = arith.cmpi eq, %arg1, %eq3A_95 : i32
    %convert_element_type3A_97 = arith.extui %eq3A_96 : i1 to i32
    %cond3A_98 = arith.constant 0 : i32
    %cond3A_99 = arith.cmpi ne, %convert_element_type3A_97, %cond3A_98 : i32
    scf.if %cond3A_99 {
      %run_scoped3A = arith.constant 0 : i32
      "tpu.region"() ({
        %run_scoped3A_106 = tpu.sem_alloc : memref<!tpu.dma_semaphore, #tpu.memory_space<semaphore_mem>>
        %dma_start3A_107 = arith.constant 0 : i32
        %dma_start3A_108 = tpu.memref_slice %arg10[%arg0, %run_scoped3A, %dma_start3A_107] : memref<2x4x10000xf32, #tpu.memory_space<hbm>> -> memref<1x1x10000xf32, #tpu.memory_space<hbm>>
        %dma_start3A_109 = tpu.memref_squeeze %dma_start3A_108 : memref<1x1x10000xf32, #tpu.memory_space<hbm>> -> memref<10000xf32, #tpu.memory_space<hbm>>
        tpu.enqueue_dma source(%arg22 : memref<10000xf32, #tpu.memory_space<vmem_shared>>) target(%dma_start3A_109 : memref<10000xf32, #tpu.memory_space<hbm>>) target_semaphore(%run_scoped3A_106 : memref<!tpu.dma_semaphore, #tpu.memory_space<semaphore_mem>>)
        %dma_wait3A_110 = arith.constant 0 : i32
        %dma_wait3A_111 = tpu.memref_slice %arg10[%arg0, %run_scoped3A, %dma_wait3A_110] : memref<2x4x10000xf32, #tpu.memory_space<hbm>> -> memref<1x1x10000xf32, #tpu.memory_space<hbm>>
        %dma_wait3A_112 = tpu.memref_squeeze %dma_wait3A_111 : memref<1x1x10000xf32, #tpu.memory_space<hbm>> -> memref<10000xf32, #tpu.memory_space<hbm>>
        tpu.wait_dma2 semaphore(%run_scoped3A_106 : memref<!tpu.dma_semaphore, #tpu.memory_space<semaphore_mem>>) src(%arg22 : memref<10000xf32, #tpu.memory_space<vmem_shared>>) dst(%dma_wait3A_112 : memref<10000xf32, #tpu.memory_space<hbm>>)
        tpu.yield
      }) : () -> ()
      %run_scoped3A_105 = arith.constant 1 : i32
      "tpu.region"() ({
        %run_scoped3A_106 = tpu.sem_alloc : memref<!tpu.dma_semaphore, #tpu.memory_space<semaphore_mem>>
        %dma_start3A_107 = arith.constant 0 : i32
        %dma_start3A_108 = tpu.memref_slice %arg10[%arg0, %run_scoped3A_105, %dma_start3A_107] : memref<2x4x10000xf32, #tpu.memory_space<hbm>> -> memref<1x1x10000xf32, #tpu.memory_space<hbm>>
        %dma_start3A_109 = tpu.memref_squeeze %dma_start3A_108 : memref<1x1x10000xf32, #tpu.memory_space<hbm>> -> memref<10000xf32, #tpu.memory_space<hbm>>
        tpu.enqueue_dma source(%arg23 : memref<10000xf32, #tpu.memory_space<vmem_shared>>) target(%dma_start3A_109 : memref<10000xf32, #tpu.memory_space<hbm>>) target_semaphore(%run_scoped3A_106 : memref<!tpu.dma_semaphore, #tpu.memory_space<semaphore_mem>>)
        %dma_wait3A_110 = arith.constant 0 : i32
        %dma_wait3A_111 = tpu.memref_slice %arg10[%arg0, %run_scoped3A_105, %dma_wait3A_110] : memref<2x4x10000xf32, #tpu.memory_space<hbm>> -> memref<1x1x10000xf32, #tpu.memory_space<hbm>>
        %dma_wait3A_112 = tpu.memref_squeeze %dma_wait3A_111 : memref<1x1x10000xf32, #tpu.memory_space<hbm>> -> memref<10000xf32, #tpu.memory_space<hbm>>
        tpu.wait_dma2 semaphore(%run_scoped3A_106 : memref<!tpu.dma_semaphore, #tpu.memory_space<semaphore_mem>>) src(%arg23 : memref<10000xf32, #tpu.memory_space<vmem_shared>>) dst(%dma_wait3A_112 : memref<10000xf32, #tpu.memory_space<hbm>>)
        tpu.yield
      }) : () -> ()
    } else {
    }
    %eq3A_100 = arith.constant 1 : i32
    %eq3A_101 = arith.cmpi eq, %arg1, %eq3A_100 : i32
    %convert_element_type3A_102 = arith.extui %eq3A_101 : i1 to i32
    %cond3A_103 = arith.constant 0 : i32
    %cond3A_104 = arith.cmpi ne, %convert_element_type3A_102, %cond3A_103 : i32
    scf.if %cond3A_104 {
      %run_scoped3A = arith.constant 2 : i32
      "tpu.region"() ({
        %run_scoped3A_106 = tpu.sem_alloc : memref<!tpu.dma_semaphore, #tpu.memory_space<semaphore_mem>>
        %dma_start3A_107 = arith.constant 0 : i32
        %dma_start3A_108 = tpu.memref_slice %arg10[%arg0, %run_scoped3A, %dma_start3A_107] : memref<2x4x10000xf32, #tpu.memory_space<hbm>> -> memref<1x1x10000xf32, #tpu.memory_space<hbm>>
        %dma_start3A_109 = tpu.memref_squeeze %dma_start3A_108 : memref<1x1x10000xf32, #tpu.memory_space<hbm>> -> memref<10000xf32, #tpu.memory_space<hbm>>
        tpu.enqueue_dma source(%arg24 : memref<10000xf32, #tpu.memory_space<vmem_shared>>) target(%dma_start3A_109 : memref<10000xf32, #tpu.memory_space<hbm>>) target_semaphore(%run_scoped3A_106 : memref<!tpu.dma_semaphore, #tpu.memory_space<semaphore_mem>>)
        %dma_wait3A_110 = arith.constant 0 : i32
        %dma_wait3A_111 = tpu.memref_slice %arg10[%arg0, %run_scoped3A, %dma_wait3A_110] : memref<2x4x10000xf32, #tpu.memory_space<hbm>> -> memref<1x1x10000xf32, #tpu.memory_space<hbm>>
        %dma_wait3A_112 = tpu.memref_squeeze %dma_wait3A_111 : memref<1x1x10000xf32, #tpu.memory_space<hbm>> -> memref<10000xf32, #tpu.memory_space<hbm>>
        tpu.wait_dma2 semaphore(%run_scoped3A_106 : memref<!tpu.dma_semaphore, #tpu.memory_space<semaphore_mem>>) src(%arg24 : memref<10000xf32, #tpu.memory_space<vmem_shared>>) dst(%dma_wait3A_112 : memref<10000xf32, #tpu.memory_space<hbm>>)
        tpu.yield
      }) : () -> ()
      %run_scoped3A_105 = arith.constant 3 : i32
      "tpu.region"() ({
        %run_scoped3A_106 = tpu.sem_alloc : memref<!tpu.dma_semaphore, #tpu.memory_space<semaphore_mem>>
        %dma_start3A_107 = arith.constant 0 : i32
        %dma_start3A_108 = tpu.memref_slice %arg10[%arg0, %run_scoped3A_105, %dma_start3A_107] : memref<2x4x10000xf32, #tpu.memory_space<hbm>> -> memref<1x1x10000xf32, #tpu.memory_space<hbm>>
        %dma_start3A_109 = tpu.memref_squeeze %dma_start3A_108 : memref<1x1x10000xf32, #tpu.memory_space<hbm>> -> memref<10000xf32, #tpu.memory_space<hbm>>
        tpu.enqueue_dma source(%arg25 : memref<10000xf32, #tpu.memory_space<vmem_shared>>) target(%dma_start3A_109 : memref<10000xf32, #tpu.memory_space<hbm>>) target_semaphore(%run_scoped3A_106 : memref<!tpu.dma_semaphore, #tpu.memory_space<semaphore_mem>>)
        %dma_wait3A_110 = arith.constant 0 : i32
        %dma_wait3A_111 = tpu.memref_slice %arg10[%arg0, %run_scoped3A_105, %dma_wait3A_110] : memref<2x4x10000xf32, #tpu.memory_space<hbm>> -> memref<1x1x10000xf32, #tpu.memory_space<hbm>>
        %dma_wait3A_112 = tpu.memref_squeeze %dma_wait3A_111 : memref<1x1x10000xf32, #tpu.memory_space<hbm>> -> memref<10000xf32, #tpu.memory_space<hbm>>
        tpu.wait_dma2 semaphore(%run_scoped3A_106 : memref<!tpu.dma_semaphore, #tpu.memory_space<semaphore_mem>>) src(%arg25 : memref<10000xf32, #tpu.memory_space<vmem_shared>>) dst(%dma_wait3A_112 : memref<10000xf32, #tpu.memory_space<hbm>>)
        tpu.yield
      }) : () -> ()
    } else {
    }
    return
  }
}

module attributes {stable_mosaic.version = 14 : i64} {
  func.func @_dense_body(%arg0: memref<9974x128xf32, #tpu.memory_space<vmem>>, %arg1: memref<26x100xf32, #tpu.memory_space<vmem>>, %arg2: memref<26x100x128xf32, #tpu.memory_space<vmem>>, %arg3: memref<26x128xf32, #tpu.memory_space<vmem>>, %arg4: memref<128x4xf32, #tpu.memory_space<vmem>>, %arg5: memref<1024x20xf32, #tpu.memory_space<vmem>>, %arg6: memref<20x10xf32, #tpu.memory_space<vmem>>, %arg7: memref<10xf32, #tpu.memory_space<vmem>>, %arg8: memref<2x10000xf32, #tpu.memory_space<vmem>>, %arg9: memref<10000xf32, #tpu.memory_space<vmem>>, %arg10: memref<10000xf32, #tpu.memory_space<vmem>>, %arg11: memref<10000xf32, #tpu.memory_space<vmem>>, %arg12: memref<10000xf32, #tpu.memory_space<vmem>>, %arg13: memref<10000xf32, #tpu.memory_space<vmem>>, %arg14: memref<1024x10xf32, #tpu.memory_space<vmem>>) attributes {dimension_semantics = [], scalar_prefetch = 0 : i64, scratch_operands = 0 : i64, tpu.core_type = #tpu.core_type<tc>} {
    %get3A = arith.constant 0 : index
    %get3A_0 = arith.constant 0 : index
    %get3A_1 = vector.load %arg1[%get3A, %get3A_0] : memref<26x100xf32, #tpu.memory_space<vmem>>, vector<26x100xf32>
    %broadcast_in_dim3A = vector.shape_cast %get3A_1 : vector<26x100xf32> to vector<26x100x1xf32>
    %get3A_2 = arith.constant 0 : index
    %get3A_3 = arith.constant 0 : index
    %get3A_4 = arith.constant 0 : index
    %get3A_5 = vector.load %arg2[%get3A_2, %get3A_3, %get3A_4] : memref<26x100x128xf32, #tpu.memory_space<vmem>>, vector<26x100x128xf32>
    %mul3A = vector.broadcast %broadcast_in_dim3A : vector<26x100x1xf32> to vector<26x100x128xf32>
    %mul3A_6 = arith.mulf %mul3A, %get3A_5 : vector<26x100x128xf32>
    %reduce_sum3A = arith.constant dense<0.000000e+00> : vector<26x128xf32>
    %reduce_sum3A_7 = vector.multi_reduction <add>, %mul3A_6, %reduce_sum3A [1] : vector<26x100x128xf32> to vector<26x128xf32>
    %get3A_8 = arith.constant 0 : index
    %get3A_9 = arith.constant 0 : index
    %get3A_10 = vector.load %arg3[%get3A_8, %get3A_9] : memref<26x128xf32, #tpu.memory_space<vmem>>, vector<26x128xf32>
    %add3A = arith.addf %reduce_sum3A_7, %get3A_10 : vector<26x128xf32>
    %get3A_11 = arith.constant 0 : index
    %get3A_12 = arith.constant 0 : index
    %get3A_13 = vector.load %arg4[%get3A_11, %get3A_12] : memref<128x4xf32, #tpu.memory_space<vmem>>, vector<128x4xf32>
    %get3A_14 = arith.constant 0 : index
    %get3A_15 = arith.constant 0 : index
    %get3A_16 = vector.load %arg0[%get3A_14, %get3A_15] : memref<9974x128xf32, #tpu.memory_space<vmem>>, vector<9974x128xf32>
    %dot_general3A = arith.constant dense<0.000000e+00> : vector<9974x4xf32>
    %dot_general3A_17 = tpu.matmul %get3A_16, %get3A_13, %dot_general3A {dimension_numbers = #tpu.dot_dimension_numbers<[1], [0], [0], [1], [0, 0, 1, 1], [], []>, transpose_lhs_hint = false} : vector<9974x128xf32>, vector<128x4xf32>, vector<9974x4xf32> -> vector<9974x4xf32>
    %dot_general3A_18 = arith.constant dense<0.000000e+00> : vector<26x4xf32>
    %dot_general3A_19 = tpu.matmul %add3A, %get3A_13, %dot_general3A_18 {dimension_numbers = #tpu.dot_dimension_numbers<[1], [0], [0], [1], [0, 0, 1, 1], [], []>, transpose_lhs_hint = false} : vector<26x128xf32>, vector<128x4xf32>, vector<26x4xf32> -> vector<26x4xf32>
    %concatenate3A = tpu.concatenate %dot_general3A_17, %dot_general3A_19 in 0 : vector<9974x4xf32>, vector<26x4xf32> -> vector<10000x4xf32>
    %transpose3A = tpu.transpose %concatenate3A, [1, 0] : vector<10000x4xf32> -> vector<4x10000xf32>
    %get3A_20 = arith.constant 0 : index
    %get3A_21 = arith.constant 0 : index
    %get3A_22 = vector.load %arg8[%get3A_20, %get3A_21] : memref<2x10000xf32, #tpu.memory_space<vmem>>, vector<1x10000xf32>
    %get3A_23 = vector.shape_cast %get3A_22 : vector<1x10000xf32> to vector<10000xf32>
    %add3A_24 = arith.constant 1.000000e+00 : f32
    %add3A_25 = vector.broadcast %add3A_24 : f32 to vector<10000xf32>
    %add3A_26 = arith.addf %add3A_25, %get3A_23 : vector<10000xf32>
    %get3A_27 = arith.constant 1 : index
    %get3A_28 = arith.constant 0 : index
    %get3A_29 = vector.load %arg8[%get3A_27, %get3A_28] : memref<2x10000xf32, #tpu.memory_space<vmem>>, vector<1x10000xf32>
    %get3A_30 = vector.shape_cast %get3A_29 : vector<1x10000xf32> to vector<10000xf32>
    %add3A_31 = arith.addf %add3A_26, %get3A_30 : vector<10000xf32>
    %rsqrt3A = math.rsqrt %add3A_31 : vector<10000xf32>
    %swap3A = arith.constant 0 : index
    %swap3A_32 = vector.load %arg13[%swap3A] : memref<10000xf32, #tpu.memory_space<vmem>>, vector<10000xf32>
    tpu.vector_store %arg13[%swap3A], %rsqrt3A {strides = array<i32>} : memref<10000xf32, #tpu.memory_space<vmem>>, vector<10000xf32>,
    %slice3A = vector.extract_strided_slice %transpose3A {offsets = [0, 0], sizes = [1, 10000], strides = [1, 1]} : vector<4x10000xf32> to vector<1x10000xf32>
    %squeeze3A = vector.shape_cast %slice3A : vector<1x10000xf32> to vector<10000xf32>
    %mul3A_33 = arith.mulf %rsqrt3A, %squeeze3A : vector<10000xf32>
    %swap3A_34 = arith.constant 0 : index
    %swap3A_35 = vector.load %arg9[%swap3A_34] : memref<10000xf32, #tpu.memory_space<vmem>>, vector<10000xf32>
    tpu.vector_store %arg9[%swap3A_34], %mul3A_33 {strides = array<i32>} : memref<10000xf32, #tpu.memory_space<vmem>>, vector<10000xf32>,
    %slice3A_36 = vector.extract_strided_slice %transpose3A {offsets = [1, 0], sizes = [1, 10000], strides = [1, 1]} : vector<4x10000xf32> to vector<1x10000xf32>
    %squeeze3A_37 = vector.shape_cast %slice3A_36 : vector<1x10000xf32> to vector<10000xf32>
    %mul3A_38 = arith.mulf %rsqrt3A, %squeeze3A_37 : vector<10000xf32>
    %swap3A_39 = arith.constant 0 : index
    %swap3A_40 = vector.load %arg10[%swap3A_39] : memref<10000xf32, #tpu.memory_space<vmem>>, vector<10000xf32>
    tpu.vector_store %arg10[%swap3A_39], %mul3A_38 {strides = array<i32>} : memref<10000xf32, #tpu.memory_space<vmem>>, vector<10000xf32>,
    %slice3A_41 = vector.extract_strided_slice %transpose3A {offsets = [2, 0], sizes = [1, 10000], strides = [1, 1]} : vector<4x10000xf32> to vector<1x10000xf32>
    %squeeze3A_42 = vector.shape_cast %slice3A_41 : vector<1x10000xf32> to vector<10000xf32>
    %mul3A_43 = arith.mulf %rsqrt3A, %squeeze3A_42 : vector<10000xf32>
    %swap3A_44 = arith.constant 0 : index
    %swap3A_45 = vector.load %arg11[%swap3A_44] : memref<10000xf32, #tpu.memory_space<vmem>>, vector<10000xf32>
    tpu.vector_store %arg11[%swap3A_44], %mul3A_43 {strides = array<i32>} : memref<10000xf32, #tpu.memory_space<vmem>>, vector<10000xf32>,
    %slice3A_46 = vector.extract_strided_slice %transpose3A {offsets = [3, 0], sizes = [1, 10000], strides = [1, 1]} : vector<4x10000xf32> to vector<1x10000xf32>
    %squeeze3A_47 = vector.shape_cast %slice3A_46 : vector<1x10000xf32> to vector<10000xf32>
    %mul3A_48 = arith.mulf %rsqrt3A, %squeeze3A_47 : vector<10000xf32>
    %swap3A_49 = arith.constant 0 : index
    %swap3A_50 = vector.load %arg12[%swap3A_49] : memref<10000xf32, #tpu.memory_space<vmem>>, vector<10000xf32>
    tpu.vector_store %arg12[%swap3A_49], %mul3A_48 {strides = array<i32>} : memref<10000xf32, #tpu.memory_space<vmem>>, vector<10000xf32>,
    %get3A_51 = arith.constant 0 : index
    %get3A_52 = arith.constant 0 : index
    %get3A_53 = vector.load %arg5[%get3A_51, %get3A_52] : memref<1024x20xf32, #tpu.memory_space<vmem>>, vector<1024x20xf32>
    %get3A_54 = arith.constant 0 : index
    %get3A_55 = arith.constant 0 : index
    %get3A_56 = vector.load %arg6[%get3A_54, %get3A_55] : memref<20x10xf32, #tpu.memory_space<vmem>>, vector<20x10xf32>
    %dot_general3A_57 = arith.constant dense<0.000000e+00> : vector<1024x10xf32>
    %dot_general3A_58 = tpu.matmul %get3A_53, %get3A_56, %dot_general3A_57 {dimension_numbers = #tpu.dot_dimension_numbers<[1], [0], [0], [1], [0, 0, 1, 1], [], []>, transpose_lhs_hint = false} : vector<1024x20xf32>, vector<20x10xf32>, vector<1024x10xf32> -> vector<1024x10xf32>
    %get3A_59 = arith.constant 0 : index
    %get3A_60 = vector.load %arg7[%get3A_59] : memref<10xf32, #tpu.memory_space<vmem>>, vector<10xf32>
    %broadcast_in_dim3A_61 = vector.shape_cast %get3A_60 : vector<10xf32> to vector<1x10xf32>
    %add3A_62 = vector.broadcast %broadcast_in_dim3A_61 : vector<1x10xf32> to vector<1024x10xf32>
    %add3A_63 = arith.addf %dot_general3A_58, %add3A_62 : vector<1024x10xf32>
    %swap3A_64 = arith.constant 0 : index
    %swap3A_65 = arith.constant 0 : index
    %swap3A_66 = vector.load %arg14[%swap3A_64, %swap3A_65] : memref<1024x10xf32, #tpu.memory_space<vmem>>, vector<1024x10xf32>
    tpu.vector_store %arg14[%swap3A_64, %swap3A_65], %add3A_63 {strides = array<i32>} : memref<1024x10xf32, #tpu.memory_space<vmem>>, vector<1024x10xf32>,
    return
  }
}

module attributes {stable_mosaic.version = 14 : i64} {
  func.func @_tail_body(%arg0: memref<2x4x10000xf32, #tpu.memory_space<vmem>>, %arg1: memref<10000xf32, #tpu.memory_space<vmem>>, %arg2: memref<10000xf32, #tpu.memory_space<vmem>>, %arg3: memref<10000xf32, #tpu.memory_space<vmem>>, %arg4: memref<10000xf32, #tpu.memory_space<vmem>>, %arg5: memref<10000xf32, #tpu.memory_space<vmem>>, %arg6: memref<10000x40xf32, #tpu.memory_space<vmem>>, %arg7: memref<1024x10xf32, #tpu.memory_space<vmem>>, %arg8: memref<4xf32, #tpu.memory_space<smem>>, %arg9: memref<1024x10xf32, #tpu.memory_space<vmem>>) attributes {dimension_semantics = [], scalar_prefetch = 0 : i64, scratch_operands = 0 : i64, tpu.core_type = #tpu.core_type<tc>} {
    %get3A = arith.constant 0 : index
    %get3A_0 = vector.load %arg1[%get3A] : memref<10000xf32, #tpu.memory_space<vmem>>, vector<10000xf32>
    %get3A_1 = arith.constant 0 : index
    %get3A_2 = arith.constant 0 : index
    %get3A_3 = arith.constant 0 : index
    %get3A_4 = vector.load %arg0[%get3A_1, %get3A_2, %get3A_3] : memref<2x4x10000xf32, #tpu.memory_space<vmem>>, vector<1x1x10000xf32>
    %get3A_5 = vector.shape_cast %get3A_4 : vector<1x1x10000xf32> to vector<10000xf32>
    %get3A_6 = arith.constant 1 : index
    %get3A_7 = arith.constant 0 : index
    %get3A_8 = arith.constant 0 : index
    %get3A_9 = vector.load %arg0[%get3A_6, %get3A_7, %get3A_8] : memref<2x4x10000xf32, #tpu.memory_space<vmem>>, vector<1x1x10000xf32>
    %get3A_10 = vector.shape_cast %get3A_9 : vector<1x1x10000xf32> to vector<10000xf32>
    %add3A = arith.addf %get3A_5, %get3A_10 : vector<10000xf32>
    %get3A_11 = arith.constant 0 : index
    %get3A_12 = vector.load %arg2[%get3A_11] : memref<10000xf32, #tpu.memory_space<vmem>>, vector<10000xf32>
    %add3A_13 = arith.addf %add3A, %get3A_12 : vector<10000xf32>
    %mul3A = arith.mulf %get3A_0, %add3A_13 : vector<10000xf32>
    %get3A_14 = arith.constant 0 : index
    %get3A_15 = memref.load %arg8[%get3A_14] : memref<4xf32, #tpu.memory_space<smem>>
    %add3A_16 = vector.broadcast %get3A_15 : f32 to vector<10000xf32>
    %add3A_17 = arith.addf %mul3A, %add3A_16 : vector<10000xf32>
    %max3A = arith.constant 0.000000e+00 : f32
    %max3A_18 = vector.broadcast %max3A : f32 to vector<10000xf32>
    %max3A_19 = arith.maximumf %add3A_17, %max3A_18 : vector<10000xf32>
    %get3A_20 = arith.constant 0 : index
    %get3A_21 = arith.constant 0 : index
    %get3A_22 = vector.load %arg6[%get3A_20, %get3A_21] : memref<10000x40xf32, #tpu.memory_space<vmem>>, vector<10000x10xf32>
    %broadcast_in_dim3A = vector.shape_cast %max3A_19 : vector<10000xf32> to vector<1x10000xf32>
    %dot_general3A = arith.constant dense<0.000000e+00> : vector<1x10xf32>
    %dot_general3A_23 = tpu.matmul %broadcast_in_dim3A, %get3A_22, %dot_general3A {dimension_numbers = #tpu.dot_dimension_numbers<[1], [0], [0], [1], [0, 0, 1, 1], [], []>, transpose_lhs_hint = false} : vector<1x10000xf32>, vector<10000x10xf32>, vector<1x10xf32> -> vector<1x10xf32>
    %get3A_24 = arith.constant 0 : index
    %get3A_25 = arith.constant 1 : index
    %get3A_26 = arith.constant 0 : index
    %get3A_27 = vector.load %arg0[%get3A_24, %get3A_25, %get3A_26] : memref<2x4x10000xf32, #tpu.memory_space<vmem>>, vector<1x1x10000xf32>
    %get3A_28 = vector.shape_cast %get3A_27 : vector<1x1x10000xf32> to vector<10000xf32>
    %get3A_29 = arith.constant 1 : index
    %get3A_30 = arith.constant 1 : index
    %get3A_31 = arith.constant 0 : index
    %get3A_32 = vector.load %arg0[%get3A_29, %get3A_30, %get3A_31] : memref<2x4x10000xf32, #tpu.memory_space<vmem>>, vector<1x1x10000xf32>
    %get3A_33 = vector.shape_cast %get3A_32 : vector<1x1x10000xf32> to vector<10000xf32>
    %add3A_34 = arith.addf %get3A_28, %get3A_33 : vector<10000xf32>
    %get3A_35 = arith.constant 0 : index
    %get3A_36 = vector.load %arg3[%get3A_35] : memref<10000xf32, #tpu.memory_space<vmem>>, vector<10000xf32>
    %add3A_37 = arith.addf %add3A_34, %get3A_36 : vector<10000xf32>
    %mul3A_38 = arith.mulf %get3A_0, %add3A_37 : vector<10000xf32>
    %get3A_39 = arith.constant 1 : index
    %get3A_40 = memref.load %arg8[%get3A_39] : memref<4xf32, #tpu.memory_space<smem>>
    %add3A_41 = vector.broadcast %get3A_40 : f32 to vector<10000xf32>
    %add3A_42 = arith.addf %mul3A_38, %add3A_41 : vector<10000xf32>
    %max3A_43 = arith.constant 0.000000e+00 : f32
    %max3A_44 = vector.broadcast %max3A_43 : f32 to vector<10000xf32>
    %max3A_45 = arith.maximumf %add3A_42, %max3A_44 : vector<10000xf32>
    %get3A_46 = arith.constant 0 : index
    %get3A_47 = arith.constant 10 : index
    %get3A_48 = vector.load %arg6[%get3A_46, %get3A_47] : memref<10000x40xf32, #tpu.memory_space<vmem>>, vector<10000x10xf32>
    %broadcast_in_dim3A_49 = vector.shape_cast %max3A_45 : vector<10000xf32> to vector<1x10000xf32>
    %dot_general3A_50 = arith.constant dense<0.000000e+00> : vector<1x10xf32>
    %dot_general3A_51 = tpu.matmul %broadcast_in_dim3A_49, %get3A_48, %dot_general3A_50 {dimension_numbers = #tpu.dot_dimension_numbers<[1], [0], [0], [1], [0, 0, 1, 1], [], []>, transpose_lhs_hint = false} : vector<1x10000xf32>, vector<10000x10xf32>, vector<1x10xf32> -> vector<1x10xf32>
    %add3A_52 = arith.addf %dot_general3A_23, %dot_general3A_51 : vector<1x10xf32>
    %get3A_53 = arith.constant 0 : index
    %get3A_54 = arith.constant 2 : index
    %get3A_55 = arith.constant 0 : index
    %get3A_56 = vector.load %arg0[%get3A_53, %get3A_54, %get3A_55] : memref<2x4x10000xf32, #tpu.memory_space<vmem>>, vector<1x1x10000xf32>
    %get3A_57 = vector.shape_cast %get3A_56 : vector<1x1x10000xf32> to vector<10000xf32>
    %get3A_58 = arith.constant 1 : index
    %get3A_59 = arith.constant 2 : index
    %get3A_60 = arith.constant 0 : index
    %get3A_61 = vector.load %arg0[%get3A_58, %get3A_59, %get3A_60] : memref<2x4x10000xf32, #tpu.memory_space<vmem>>, vector<1x1x10000xf32>
    %get3A_62 = vector.shape_cast %get3A_61 : vector<1x1x10000xf32> to vector<10000xf32>
    %add3A_63 = arith.addf %get3A_57, %get3A_62 : vector<10000xf32>
    %get3A_64 = arith.constant 0 : index
    %get3A_65 = vector.load %arg4[%get3A_64] : memref<10000xf32, #tpu.memory_space<vmem>>, vector<10000xf32>
    %add3A_66 = arith.addf %add3A_63, %get3A_65 : vector<10000xf32>
    %mul3A_67 = arith.mulf %get3A_0, %add3A_66 : vector<10000xf32>
    %get3A_68 = arith.constant 2 : index
    %get3A_69 = memref.load %arg8[%get3A_68] : memref<4xf32, #tpu.memory_space<smem>>
    %add3A_70 = vector.broadcast %get3A_69 : f32 to vector<10000xf32>
    %add3A_71 = arith.addf %mul3A_67, %add3A_70 : vector<10000xf32>
    %max3A_72 = arith.constant 0.000000e+00 : f32
    %max3A_73 = vector.broadcast %max3A_72 : f32 to vector<10000xf32>
    %max3A_74 = arith.maximumf %add3A_71, %max3A_73 : vector<10000xf32>
    %get3A_75 = arith.constant 0 : index
    %get3A_76 = arith.constant 20 : index
    %get3A_77 = vector.load %arg6[%get3A_75, %get3A_76] : memref<10000x40xf32, #tpu.memory_space<vmem>>, vector<10000x10xf32>
    %broadcast_in_dim3A_78 = vector.shape_cast %max3A_74 : vector<10000xf32> to vector<1x10000xf32>
    %dot_general3A_79 = arith.constant dense<0.000000e+00> : vector<1x10xf32>
    %dot_general3A_80 = tpu.matmul %broadcast_in_dim3A_78, %get3A_77, %dot_general3A_79 {dimension_numbers = #tpu.dot_dimension_numbers<[1], [0], [0], [1], [0, 0, 1, 1], [], []>, transpose_lhs_hint = false} : vector<1x10000xf32>, vector<10000x10xf32>, vector<1x10xf32> -> vector<1x10xf32>
    %add3A_81 = arith.addf %add3A_52, %dot_general3A_80 : vector<1x10xf32>
    %get3A_82 = arith.constant 0 : index
    %get3A_83 = arith.constant 3 : index
    %get3A_84 = arith.constant 0 : index
    %get3A_85 = vector.load %arg0[%get3A_82, %get3A_83, %get3A_84] : memref<2x4x10000xf32, #tpu.memory_space<vmem>>, vector<1x1x10000xf32>
    %get3A_86 = vector.shape_cast %get3A_85 : vector<1x1x10000xf32> to vector<10000xf32>
    %get3A_87 = arith.constant 1 : index
    %get3A_88 = arith.constant 3 : index
    %get3A_89 = arith.constant 0 : index
    %get3A_90 = vector.load %arg0[%get3A_87, %get3A_88, %get3A_89] : memref<2x4x10000xf32, #tpu.memory_space<vmem>>, vector<1x1x10000xf32>
    %get3A_91 = vector.shape_cast %get3A_90 : vector<1x1x10000xf32> to vector<10000xf32>
    %add3A_92 = arith.addf %get3A_86, %get3A_91 : vector<10000xf32>
    %get3A_93 = arith.constant 0 : index
    %get3A_94 = vector.load %arg5[%get3A_93] : memref<10000xf32, #tpu.memory_space<vmem>>, vector<10000xf32>
    %add3A_95 = arith.addf %add3A_92, %get3A_94 : vector<10000xf32>
    %mul3A_96 = arith.mulf %get3A_0, %add3A_95 : vector<10000xf32>
    %get3A_97 = arith.constant 3 : index
    %get3A_98 = memref.load %arg8[%get3A_97] : memref<4xf32, #tpu.memory_space<smem>>
    %add3A_99 = vector.broadcast %get3A_98 : f32 to vector<10000xf32>
    %add3A_100 = arith.addf %mul3A_96, %add3A_99 : vector<10000xf32>
    %max3A_101 = arith.constant 0.000000e+00 : f32
    %max3A_102 = vector.broadcast %max3A_101 : f32 to vector<10000xf32>
    %max3A_103 = arith.maximumf %add3A_100, %max3A_102 : vector<10000xf32>
    %get3A_104 = arith.constant 0 : index
    %get3A_105 = arith.constant 30 : index
    %get3A_106 = vector.load %arg6[%get3A_104, %get3A_105] : memref<10000x40xf32, #tpu.memory_space<vmem>>, vector<10000x10xf32>
    %broadcast_in_dim3A_107 = vector.shape_cast %max3A_103 : vector<10000xf32> to vector<1x10000xf32>
    %dot_general3A_108 = arith.constant dense<0.000000e+00> : vector<1x10xf32>
    %dot_general3A_109 = tpu.matmul %broadcast_in_dim3A_107, %get3A_106, %dot_general3A_108 {dimension_numbers = #tpu.dot_dimension_numbers<[1], [0], [0], [1], [0, 0, 1, 1], [], []>, transpose_lhs_hint = false} : vector<1x10000xf32>, vector<10000x10xf32>, vector<1x10xf32> -> vector<1x10xf32>
    %add3A_110 = arith.addf %add3A_81, %dot_general3A_109 : vector<1x10xf32>
    %get3A_111 = arith.constant 0 : index
    %get3A_112 = arith.constant 0 : index
    %get3A_113 = vector.load %arg7[%get3A_111, %get3A_112] : memref<1024x10xf32, #tpu.memory_space<vmem>>, vector<1024x10xf32>
    %add3A_114 = vector.broadcast %add3A_110 : vector<1x10xf32> to vector<1024x10xf32>
    %add3A_115 = arith.addf %get3A_113, %add3A_114 : vector<1024x10xf32>
    %swap3A = arith.constant 0 : index
    %swap3A_116 = arith.constant 0 : index
    %swap3A_117 = vector.load %arg9[%swap3A, %swap3A_116] : memref<1024x10xf32, #tpu.memory_space<vmem>>, vector<1024x10xf32>
    tpu.vector_store %arg9[%swap3A, %swap3A_116], %add3A_115 {strides = array<i32>} : memref<1024x10xf32, #tpu.memory_space<vmem>>, vector<1024x10xf32>,
    return
  }
}

</mosaic_0001>

<sc_bundles>
// kernel: kernel.6.cloned.1.call-start
scs
__scs_entry_jumppad:
0x0: {  	(pc) =	sbr.rel $0x88, $3  }
0x1: {  	(tag) =	ssettag $0x0;
	lr =	simm.s32 $0x1  }
0x2: {  	[smem:$0x3F96] =	sst lr;
	_ =	strace $0xD0000000  }
0x3: {  	_ = 	snop  }
0x4: {  	_ = 	snop  }
0x5: {  	_ = 	snop  }
0x6: {  	_ = 	snop  }
0x7: {  	_ = 	snop  }
__scs_overlays_trampoline_lowered:
0x8: {  	[smem:$0x3FA5] =	sst s0  }
0x9: {  	[smem:$0x3FA6] =	sst s1  }
0xa: {  	[smem:$0x3FA7] =	sst s2  }
0xb: {  	[smem:$0x3FA8] =	sst s3  }
0xc: {  	[smem:$0x3FA9] =	sst s4  }
0xd: {  	[smem:$0x3FAA] =	sst s5  }
0xe: {  	[smem:$0x3FAB] =	sst s6  }
0xf: {  	[smem:$0x3FAC] =	sst s7  }
0x10: {  	[smem:$0x3FAD] =	sst s8  }
0x11: {  	[smem:$0x3FAE] =	sst s9;
	s0 =	simm.s32 @!p0 $0x0  }
0x12: {  	s1 =	sld [smem:$0x3F94];
	s0 =	simm.s32 @p0 $0x1  }
0x13: {  	[smem:$0x3FAF] =	sst s0;
	s0 =	simm.s32 @!p1 $0x0  }
0x14: {  	s2 =	sld [smem:$0x3F93];
	s0 =	simm.s32 @p1 $0x1  }
0x15: {  	[smem:$0x3FB0] =	sst s0;
	s0 =	simm.s32 @!p2 $0x0  }
0x16: {  	s3 =	sld [smem:$0x3FDB];
	s0 =	simm.s32 @p2 $0x1  }
0x17: {  	s4 =	simm.s32 $0x1BF5;
	[smem:$0x3FB2] =	sst s0  }
0x18: {  	s0 =	sld [smem:$0x3F95];
	_ =	swait.ge [sflag:s4], $0x0  }
0x19: {  	s7 =	sld [smem:$0x3F96]  }
0x1a: {  	s8 =	sadd.s32 $0xFFFFE003, lr  }
0x1b: {  	s9 =	sadd.s32 $0xFFFFFEF7, lr;
	s5 =	simm.s32 $0xFFFFFFFF;
	p2 =	slt.u32 s8, $0xFFFFF086  }
0x1c: {  	p1 =	slt.u32 s9, $0xF7A;
	s5 =	simm.s32 @!p2 $0x0  }
0x1d: {  	s5 =	simm.s32 @p1 $0x1;
	p0 =	seq.s32 s7, s2  }
0x1e: {  	s7 =	smul.u32 @!p0 $0xF7A, s2;
	p2 =	seq.s32 @!p0 s5, $0x0  }
0x1f: {  	s9 =	smul.u32 $0xF7A, s1;
	s8 =	simm.s32 @!p0 $0x1BF5;
	p2 =	por !p2, p0  }
0x20: {  	[sflag:s8] =	ssyncset.s32 @!p0 $0xFFFFF086;
	s6 =	sadd.s32 @!p0 s3, s7;
	s7 =	simm.s32 @!p0 $0x108  }
0x21: {  	s3 =	sadd.s32 s3, s9;
	s6 =	sadd.s32 @!p0 $0x88, s6;
	s7 =	simm.s32 @p2 $0x1082  }
0x22: {  	[simem:s7], [sflag:s8] =	dma.local @!p0 [hbm:s6], $0xF7A  }
0x23: {  	s9 =	sor.u32 $0xD0000000, s2;
	s6 =	simm.s32 $0x108;
	_ =	swait.ge @!p0 [sflag:s8], $0x0  }
0x24: {  	s3 =	sadd.s32 $0x88, s3;
	s6 =	simm.s32 @!p1 $0x1082;
	[sflag:s4] =	ssyncset.s32 $0xFFFFF086  }
0x25: {  	[simem:s6], [sflag:s4] =	dma.local [hbm:s3], $0xF7A  }
0x26: {  	[smem:$0x3F96] =	sst s1;
	(tag) =	ssettag s2;
	_ =	strace s9  }
0x27: {  	s1 =	sld [smem:$0x3FA6]  }
0x28: {  	s2 =	sld [smem:$0x3FA7]  }
0x29: {  	s4 =	sld [smem:$0x3FA9]  }
0x2a: {  	p0 =	seq.s32 s5, $0x0;
	s5 =	sld [smem:$0x3FAA]  }
0x2b: {  	s6 =	sld [smem:$0x3FAB]  }
0x2c: {  	s7 =	sld [smem:$0x3FAC]  }
0x2d: {  	s3 =	simm.s32 $0x108;
	s8 =	sld [smem:$0x3FAD]  }
0x2e: {  	s3 =	simm.s32 @!p0 $0x1082;
	s9 =	sld [smem:$0x3FAE]  }
0x2f: {  	lr =	sadd.s32 s0, s3;
	s0 =	sld [smem:$0x3FA5]  }
0x30: {  	s3 =	sld [smem:$0x3FA8]  }
0x31: {  	[smem:$0x3FB1] =	sst s10  }
0x32: {  	s10 =	sld [smem:$0x3FAF];
	_ =	sdelay $0x3  }
0x33: {  	p0 =	seq.s32 s10, $0x1;
	s10 =	sld [smem:$0x3FB1];
	_ =	sdelay $0x3  }
0x34: {  	[smem:$0x3FB1] =	sst s10  }
0x35: {  	s10 =	sld [smem:$0x3FB0];
	_ =	sdelay $0x3  }
0x36: {  	p1 =	seq.s32 s10, $0x1;
	s10 =	sld [smem:$0x3FB1];
	_ =	sdelay $0x3  }
0x37: {  	[smem:$0x3FB1] =	sst s10  }
0x38: {  	s10 =	sld [smem:$0x3FB2]  }
0x39: {  	_ = 	snop;
	(pc) =	sbr.ind lr, $3  }
0x3a: {  	_ = 	snop  }
0x3b: {  	_ = 	snop  }
0x3c: {  	p2 =	seq.s32 s10, $0x1;
	s10 =	sld [smem:$0x3FB1]  }
0x3d: {  	_ =	shalt  }
0x3e: {  	_ =	shalt  }
0x3f: {  	_ =	shalt  }
0x40: {  	_ =	shalt  }
0x41: {  	_ =	shalt  }
0x42: {  	_ =	shalt  }
0x43: {  	_ =	shalt  }
0x44: {  	_ =	shalt  }
0x45: {  	_ =	shalt  }
0x46: {  	_ =	shalt  }
0x47: {  	_ =	shalt  }
0x48: {  	_ =	shalt  }
0x49: {  	_ =	shalt  }
0x4a: {  	_ =	shalt  }
0x4b: {  	_ =	shalt  }
0x4c: {  	_ =	shalt  }
0x4d: {  	_ =	shalt  }
0x4e: {  	_ =	shalt  }
0x4f: {  	_ =	shalt  }
0x50: {  	_ =	shalt  }
0x51: {  	_ =	shalt  }
0x52: {  	_ =	shalt  }
0x53: {  	_ =	shalt  }
0x54: {  	_ =	shalt  }
0x55: {  	_ =	shalt  }
0x56: {  	_ =	shalt  }
0x57: {  	_ =	shalt  }
0x58: {  	_ =	shalt  }
0x59: {  	_ =	shalt  }
0x5a: {  	_ =	shalt  }
0x5b: {  	_ =	shalt  }
0x5c: {  	_ =	shalt  }
0x5d: {  	_ =	shalt  }
0x5e: {  	_ =	shalt  }
0x5f: {  	_ =	shalt  }
0x60: {  	_ =	shalt  }
0x61: {  	_ =	shalt  }
0x62: {  	_ =	shalt  }
0x63: {  	_ =	shalt  }
0x64: {  	_ =	shalt  }
0x65: {  	_ =	shalt  }
0x66: {  	_ =	shalt  }
0x67: {  	_ =	shalt  }
0x68: {  	_ =	shalt  }
0x69: {  	_ =	shalt  }
0x6a: {  	_ =	shalt  }
0x6b: {  	_ =	shalt  }
0x6c: {  	_ =	shalt  }
0x6d: {  	_ =	shalt  }
0x6e: {  	_ =	shalt  }
0x6f: {  	_ =	shalt  }
0x70: {  	_ =	shalt  }
0x71: {  	_ =	shalt  }
0x72: {  	_ =	shalt  }
0x73: {  	_ =	shalt  }
0x74: {  	_ =	shalt  }
0x75: {  	_ =	shalt  }
0x76: {  	_ =	shalt  }
0x77: {  	_ =	shalt  }
0x78: {  	_ =	shalt  }
0x79: {  	_ =	shalt  }
0x7a: {  	_ =	shalt  }
0x7b: {  	_ =	shalt  }
0x7c: {  	_ =	shalt  }
0x7d: {  	_ =	shalt  }
0x7e: {  	_ =	shalt  }
0x7f: {  	_ =	shalt  }
0x80: {  	_ =	shalt  }
0x81: {  	_ =	shalt  }
0x82: {  	_ =	shalt  }
0x83: {  	_ =	shalt  }
0x84: {  	_ =	shalt  }
0x85: {  	_ =	shalt  }
0x86: {  	_ =	shalt  }
0x87: {  	_ =	shalt  }
.Lfunc_end0:
.L_simem_size_0:
called_computation_lowered:
.L_overlay_start_0:
0x88: {  	s2 =	sld [smem:$0x3FD9]  }
0x89: {  	s3 =	sld [smem:$0x3FFE];
	_ =	sdelay $0x1  }
0x8a: {  	s1 =	srdreg.scid  }
0x8b: {  	s0 =	sand.u32 $0x1, s1  }
0x8c: {  	s17 =	sshll.u32 s0, $0xA;
	s2 =	sadd.s32 s3, s2  }
0x8d: {  	s2 =	sadd.s32 s2, s17  }
0x8e: {  	[smem:$0x3FBD] =	sst s2  }
0x8f: {  	_ = 	snop  }
0x90: {  	s2 =	sld [smem:$0x3FC6]  }
0x91: {  	s18 =	sld [smem:$0x3FD0];
	(tm) =	ssettm $0x1  }
0x92: {  	s4 =	sld [smem:$0x3FFB];
	_ =	sdelay $0x3  }
0x93: {  	_ =	strace s4  }
0x94: {  	s4 =	sld [smem:$0x3FFC];
	_ =	sdelay $0x3  }
0x95: {  	_ =	strace s4  }
0x96: {  	s4 =	sld [smem:$0x3FFD];
	_ =	sdelay $0x3  }
0x97: {  	_ =	strace s4  }
0x98: {  	_ =	strace $0x8FFFFFFF  }
0x99: {  	s19 =	sld [smem:$0x3FDB];
	_ =	sdelay $0x1  }
0x9a: {  	s5 =	simm.s32 $_scs_section_size  }
0x9b: {  	s6 =	simm.s32 $_size__tile_overlayer_lowered;
	s7 =	simm.s32 $_tile_overlayer_lowered  }
0x9c: {  	s22 =	simm.s32 $0x1BFF;
	s21 =	sshll.u32 s7, $0x1;
	s4 =	sadd.s32 s5, s19  }
0x9d: {  	s8 =	simm.s32 $0x0;
	s20 =	sshll.u32 s6, $0x1;
	s6 =	sadd.s32 s21, s4  }
0x9e: {  	[timem:s8], [sflag:s22] =	dma.local [hbm:s6], s20  }
0x9f: {  	_ =	swait.ge [sflag:s22], s20  }
0xa0: {  	s5 =	ssub.s32 $0x0, s20;
	[sflag:s22] =	ssyncset.done $0x0  }
0xa1: {  	[sflag:s22] =	ssyncadd.s32 s5;
	_ =	sdelay $0x1  }
0xa2: {  	s23 =	simm.s32 $0x1B8B  }
0xa3: {  	_ =	swait.ge [sflag:s23], $0x1  }
0xa4: {  	[sflag:s23] =	ssyncset.done $0x0  }
0xa5: {  	s25 =	simm.s32 $0x1B8E;
	s24 =	sld [smem:$0x3FFE];
	[sflag:s23] =	ssyncadd.s32 $0xFFFFFFFF  }
0xa6: {  	s26 =	simm.s32 $execute0_lowered;
	[smem:$0x3FD2] =	sst s25  }
0xa7: {  	s6 =	sshll.u32 s26, $0x1;
	_ =	strace $0x80000046;
	[dreg:$0x1] =	wrdreg $0xFFFFFFFF  }
0xa8: {  	s28 =	simm.s32 $_size_execute0_lowered;
	s4 =	sadd.s32 s4, s6;
	[dreg:$0x0] =	wrdreg $0x0  }
0xa9: {  	s6 =	sshll.u32 s28, $0x1;
	[dreg:$0x2] =	wrdreg s4  }
0xaa: {  	[dreg:$0x3] =	wrdreg s6  }
0xab: {  	[dreg:$0x4] =	wrdreg $0xC0  }
0xac: {  	_ =	task [dreg:s8], $0x5FFFF  }
0xad: {  	[dreg:$0x1] =	wrdreg $0xFFFFFFFF  }
0xae: {  	[dreg:$0x0] =	wrdreg $0x60  }
0xaf: {  	[dreg:$0x2] =	wrdreg s24  }
0xb0: {  	[dreg:$0x3] =	wrdreg s2  }
0xb1: {  	[dreg:$0x4] =	wrdreg s18  }
0xb2: {  	[dreg:$0x5] =	wrdreg $0x4F000  }
0xb3: {  	[dreg:$0x6] =	wrdreg $0x9  }
0xb4: {  	_ =	task.clear_ibuf [dreg:s8], $0x7FFFF;
	_ =	strace $0x90000046  }
0xb5: {  	s29 =	simm.s32 $0x9;
	_ =	strace $0x80000048  }
0xb6: {  	_ =	swait.ge [sflag:s29], $0x1  }
0xb7: {  	[sflag:s29] =	ssyncadd.s32 $0xFFFFFFFF  }
0xb8: {  	_ =	strace $0x90000048  }
0xb9: {  	_ =	sfence  }
0xba: {  	s30 =	sld [smem:$0x0];
	_ =	sdelay $0x2  }
0xbb: {  	s31 =	sshll.u32 s1, $0xD;
	s1 =	sshrl.u32 s1, $0x2  }
0xbc: {  	s3 =	sand.u32 $0x4000, s31;
	s1 =	sadd.s32 s1, s30  }
0xbd: {  	s0 =	sor.u32 s3, s0;
	s1 =	sshll.u32 s1, $0x11  }
0xbe: {  	s0 =	sor.u32 s1, s0  }
0xbf: {  	s0 =	sadd.s32 $0x8F2B, s0  }
0xc0: {  	[sflag:s0] =	ssyncadd.remote.s32 $0x1  }
0xc1: {  	_ =	sfence.sel $0xFFFF  }
0xc2: {  	[dreg:$0x0] =	wrdreg $0xFFFFFFFF;
	(pc) =	sbr.abs _section_cstart, $3  }
0xc3: {  	[dreg:$0x1] =	wrdreg $0xFFFFFFFF  }
0xc4: {  	_ =	task.clear_ibuf [dreg:s8], $0x2FFFF;
	_ =	strace $0x9FFFFFFF  }
0xc5: {  	(tm) =	ssettm $0x7FFFFFFF  }
tec
execute0_lowered:
.L_overlay_start_1:
0x0: {  	(tag) =	ssettag $0x1  }
0x1: {  	s3 =	rddreg [dreg:$0x0]  }
0x2: {  	s4 =	rddreg [dreg:$0x1]  }
0x3: {  	s1 =	rddreg [dreg:$0x2]  }
0x4: {  	[dreg:$0x5] =	wrdreg s1  }
0x5: {  	s2 =	simm.s32 $0x0;
	s1 =	rddreg [dreg:$0x3]  }
0x6: {  	s31 =	simm.s32 $0x2980;
	[smem:$0x7FF] =	sst s2  }
0x7: {  	s9 =	simm.s32 $0x2F80;
	_ =	strace $0x80000047;
	[dreg:$0x9] =	wrdreg s31  }
0x8: {  	s10 =	simm.s32 $0xA00;
	[dreg:$0xf] =	wrdreg s9  }
0x9: {  	s11 =	simm.s32 $0x3180;
	[dreg:$0x10] =	wrdreg s10  }
0xa: {  	s12 =	simm.s32 $0xC00;
	[dreg:$0x11] =	wrdreg s11  }
0xb: {  	s13 =	simm.s32 $0x3380;
	[dreg:$0x12] =	wrdreg s12  }
0xc: {  	s14 =	simm.s32 $0xE00;
	[dreg:$0x13] =	wrdreg s13  }
0xd: {  	s15 =	simm.s32 $0x3580;
	[dreg:$0x14] =	wrdreg s14  }
0xe: {  	s16 =	simm.s32 $0x1000;
	[dreg:$0x15] =	wrdreg s15  }
0xf: {  	s0 =	srdreg.scid;
	s17 =	simm.s32 $0x3780;
	[dreg:$0x16] =	wrdreg s16  }
0x10: {  	s5 =	stileid.u32;
	s18 =	simm.s32 $0x1200;
	[dreg:$0x17] =	wrdreg s17  }
0x11: {  	s19 =	simm.s32 $0x3980;
	s20 =	simm.s32 $0x1400;
	[dreg:$0x18] =	wrdreg s18  }
0x12: {  	s29 =	sand.u32 $0x1, s0;
	s30 =	sshll.u32 s5, $0x1;
	[dreg:$0x19] =	wrdreg s19  }
0x13: {  	s21 =	simm.s32 $0x3B80;
	s0 =	sor.u32 s29, s30;
	[dreg:$0x1a] =	wrdreg s20  }
0x14: {  	s22 =	simm.s32 $0x1600;
	[dreg:$0x1b] =	wrdreg s21;
	s6 =	smul.u32 $0x4E2, s0  }
0x15: {  	[dreg:$0x1c] =	wrdreg s22;
	s0 =	simm.s32 $0x400  }
0x16: {  	s8 =	sshll.u32 s29, $0x4;
	[dreg:$0xa] =	wrdreg s0;
	s4 =	sadd.s32 s4, s6  }
0x17: {  	s7 =	sadd.s32 s6, s3;
	s6 =	simm.s32 $0x600;
	[dreg:$0x7] =	wrdreg s4  }
0x18: {  	s3 =	sadd.s32 s8, s3;
	s8 =	simm.s32 $0x800;
	[dreg:$0xc] =	wrdreg s6  }
0x19: {  	[dreg:$0xe] =	wrdreg s8  }
0x1a: {  	s7 =	sadd.s32 $0xD000, s7;
	s6 =	rddreg [dreg:$0x5]  }
0x1b: {  	s3 =	sadd.s32 $0x16E00, s3;
	[dreg:$0x6] =	wrdreg s7  }
0x1c: {  	p0 =	sne.s32 s5, $0x0;
	s4 =	simm.s32 $0x2B80;
	[dreg:$0x8] =	wrdreg s3  }
0x1d: {  	s5 =	simm.s32 @!p0 $0x1C02;
	[dreg:$0xb] =	wrdreg s4;
	s7 =	simm.s32 $0x2D80  }
0x1e: {  	s3 =	sshrl.u32 @!p0 s1, $0x3;
	s4 =	simm.s32 @!p0 $0x2;
	[dreg:$0xd] =	wrdreg s7  }
0x1f: {  	[spmem:s3], [sflag:s5] =	dma.local @!p0 [hbm:s6], $0x4F0  }
0x20: {  	_ =	swait.ge @!p0 [sflag:s4], $0x4F0  }
0x21: {  	[sflag:s4] =	ssyncset.done @!p0 $0x0  }
0x22: {  	s6 =	simm.s32 $0x2;
	s23 =	rddreg [dreg:$0x6];
	[sflag:s4] =	ssyncadd.s32 @!p0 $0xFFFFFB10  }
0x23: {  	[tilespmem:s2], [sflag:$0x2] =	stream.linear.gather [hbm4b:s23+s2], $0x2710, $0x38;
	[tilespmem:$0x5178] =	vst v63  }
0x24: {  	_ =	swait.ge [sflag:s6], $0x2710  }
0x25: {  	[sflag:s6] =	ssyncset.done $0x0  }
0x26: {  	s7 =	simm.s32 $0x2780;
	s24 =	rddreg [dreg:$0x7];
	[sflag:s6] =	ssyncadd.s32 $0xFFFFD8F0  }
0x27: {  	[tilespmem:s7], [sflag:$0x2] =	stream.linear.gather [hbm4b:s24+s2], $0x2710, $0x38;
	[tilespmem:$0x5178] =	vst v63  }
0x28: {  	_ =	swait.ge [sflag:s6], $0x2710  }
0x29: {  	[sflag:s6] =	ssyncset.done $0x0  }
0x2a: {  	[sflag:s6] =	ssyncadd.s32 $0xFFFFD8F0  }
0x2b: {  	[bflag:$0x0] =	sbarrier.arrive $0xFFFF  }
0x2c: {  	s9 =	rddreg [dreg:$0x1b]  }
0x2d: {  	s10 =	rddreg [dreg:$0x19]  }
0x2e: {  	s11 =	rddreg [dreg:$0x17]  }
0x2f: {  	s12 =	rddreg [dreg:$0x15]  }
0x30: {  	s13 =	rddreg [dreg:$0x13]  }
0x31: {  	s14 =	rddreg [dreg:$0x11]  }
0x32: {  	s15 =	rddreg [dreg:$0xf]  }
0x33: {  	s8 =	simm.s32 $0x200;
	s16 =	rddreg [dreg:$0xd]  }
0x34: {  	[spmem:s1] =	stream.indirect.scatter.add.f32 [tilespmem:s7], [sflag:$0x1], $0x1, s2, s8, $0xb8;
	[tilespmem:$0x5178] =	vst v63  }
0x35: {  	s17 =	rddreg [dreg:$0x9]  }
0x36: {  	s18 =	rddreg [dreg:$0xb]  }
0x37: {  	[spmem:s1] =	stream.indirect.scatter.add.f32 [tilespmem:s17], [sflag:$0x1], $0x1, s8, s8, $0xb8;
	[tilespmem:$0x5178] =	vst v63  }
0x38: {  	s19 =	rddreg [dreg:$0xa]  }
0x39: {  	[spmem:s1] =	stream.indirect.scatter.add.f32 [tilespmem:s18], [sflag:$0x1], $0x1, s19, s8, $0xb8;
	[tilespmem:$0x5178] =	vst v63  }
0x3a: {  	s25 =	rddreg [dreg:$0xc]  }
0x3b: {  	[spmem:s1] =	stream.indirect.scatter.add.f32 [tilespmem:s16], [sflag:$0x1], $0x1, s25, s8, $0xb8;
	[tilespmem:$0x5178] =	vst v63  }
0x3c: {  	s26 =	rddreg [dreg:$0xe]  }
0x3d: {  	[spmem:s1] =	stream.indirect.scatter.add.f32 [tilespmem:s15], [sflag:$0x1], $0x1, s26, s8, $0xb8;
	[tilespmem:$0x5178] =	vst v63  }
0x3e: {  	s30 =	rddreg [dreg:$0x10]  }
0x3f: {  	[spmem:s1] =	stream.indirect.scatter.add.f32 [tilespmem:s14], [sflag:$0x1], $0x1, s30, s8, $0xb8;
	[tilespmem:$0x5178] =	vst v63  }
0x40: {  	s31 =	rddreg [dreg:$0x12]  }
0x41: {  	[spmem:s1] =	stream.indirect.scatter.add.f32 [tilespmem:s13], [sflag:$0x1], $0x1, s31, s8, $0xb8;
	[tilespmem:$0x5178] =	vst v63  }
0x42: {  	s0 =	rddreg [dreg:$0x14]  }
0x43: {  	[spmem:s1] =	stream.indirect.scatter.add.f32 [tilespmem:s12], [sflag:$0x1], $0x1, s0, s8, $0xb8;
	[tilespmem:$0x5178] =	vst v63  }
0x44: {  	s16 =	rddreg [dreg:$0x16]  }
0x45: {  	[spmem:s1] =	stream.indirect.scatter.add.f32 [tilespmem:s11], [sflag:$0x1], $0x1, s16, s8, $0xb8;
	[tilespmem:$0x5178] =	vst v63  }
0x46: {  	s17 =	rddreg [dreg:$0x18]  }
0x47: {  	[spmem:s1] =	stream.indirect.scatter.add.f32 [tilespmem:s10], [sflag:$0x1], $0x1, s17, s8, $0xb8;
	[tilespmem:$0x5178] =	vst v63  }
0x48: {  	s18 =	rddreg [dreg:$0x1a]  }
0x49: {  	[spmem:s1] =	stream.indirect.scatter.add.f32 [tilespmem:s9], [sflag:$0x1], $0x1, s18, s8, $0xb8;
	[tilespmem:$0x5178] =	vst v63  }
0x4a: {  	s20 =	simm.s32 $0x3D80;
	s19 =	rddreg [dreg:$0x1c]  }
0x4b: {  	[spmem:s1] =	stream.indirect.scatter.add.f32 [tilespmem:s20], [sflag:$0x1], $0x1, s19, s8, $0xb8;
	[tilespmem:$0x5178] =	vst v63  }
0x4c: {  	s21 =	simm.s32 $0x1800;
	s22 =	simm.s32 $0x3F80  }
0x4d: {  	[spmem:s1] =	stream.indirect.scatter.add.f32 [tilespmem:s22], [sflag:$0x1], $0x1, s21, s8, $0xb8;
	[tilespmem:$0x5178] =	vst v63  }
0x4e: {  	s23 =	simm.s32 $0x1A00;
	s24 =	simm.s32 $0x4180  }
0x4f: {  	[spmem:s1] =	stream.indirect.scatter.add.f32 [tilespmem:s24], [sflag:$0x1], $0x1, s23, s8, $0xb8;
	[tilespmem:$0x5178] =	vst v63  }
0x50: {  	s25 =	simm.s32 $0x1C00;
	s26 =	simm.s32 $0x4380  }
0x51: {  	[spmem:s1] =	stream.indirect.scatter.add.f32 [tilespmem:s26], [sflag:$0x1], $0x1, s25, s8, $0xb8;
	[tilespmem:$0x5178] =	vst v63  }
0x52: {  	s30 =	simm.s32 $0x1E00;
	s31 =	simm.s32 $0x4580  }
0x53: {  	[spmem:s1] =	stream.indirect.scatter.add.f32 [tilespmem:s31], [sflag:$0x1], $0x1, s30, s8, $0xb8;
	[tilespmem:$0x5178] =	vst v63  }
0x54: {  	s18 =	simm.s32 $0x2000;
	s19 =	simm.s32 $0x4780  }
0x55: {  	[spmem:s1] =	stream.indirect.scatter.add.f32 [tilespmem:s19], [sflag:$0x1], $0x1, s18, s8, $0xb8;
	[tilespmem:$0x5178] =	vst v63  }
0x56: {  	s20 =	simm.s32 $0x2200;
	s21 =	simm.s32 $0x4980  }
0x57: {  	[spmem:s1] =	stream.indirect.scatter.add.f32 [tilespmem:s21], [sflag:$0x1], $0x1, s20, s8, $0xb8;
	[tilespmem:$0x5178] =	vst v63  }
0x58: {  	s28 =	simm.s32 $0x4D80;
	s22 =	simm.s32 $0x2400;
	s24 =	simm.s32 $0x4B80  }
0x59: {  	[spmem:s1] =	stream.indirect.scatter.add.f32 [tilespmem:s24], [sflag:$0x1], $0x1, s22, s8, $0xb8;
	[tilespmem:$0x5178] =	vst v63  }
0x5a: {  	s23 =	simm.s32 $0x1;
	s25 =	simm.s32 $0x110;
	s26 =	simm.s32 $0x2600  }
0x5b: {  	[spmem:s1] =	stream.indirect.scatter.add.f32 [tilespmem:s28], [sflag:$0x1], $0x1, s26, s25, $0xb8;
	[tilespmem:$0x5178] =	vst v63  }
0x5c: {  	_ =	swait.ge [sflag:s23], $0x200  }
0x5d: {  	[sflag:s23] =	ssyncset.done $0x0  }
0x5e: {  	[sflag:s23] =	ssyncadd.s32 $0xFFFFFE00  }
0x5f: {  	_ =	swait.ge [sflag:s23], $0x200  }
0x60: {  	[sflag:s23] =	ssyncset.done $0x0  }
0x61: {  	[sflag:s23] =	ssyncadd.s32 $0xFFFFFE00  }
0x62: {  	_ =	swait.ge [sflag:s23], $0x200  }
0x63: {  	[sflag:s23] =	ssyncset.done $0x0  }
0x64: {  	[sflag:s23] =	ssyncadd.s32 $0xFFFFFE00  }
0x65: {  	_ =	swait.ge [sflag:s23], $0x200  }
0x66: {  	[sflag:s23] =	ssyncset.done $0x0  }
0x67: {  	[sflag:s23] =	ssyncadd.s32 $0xFFFFFE00  }
0x68: {  	_ =	swait.ge [sflag:s23], $0x200  }
0x69: {  	[sflag:s23] =	ssyncset.done $0x0  }
0x6a: {  	[sflag:s23] =	ssyncadd.s32 $0xFFFFFE00  }
0x6b: {  	_ =	swait.ge [sflag:s23], $0x200  }
0x6c: {  	[sflag:s23] =	ssyncset.done $0x0  }
0x6d: {  	[sflag:s23] =	ssyncadd.s32 $0xFFFFFE00  }
0x6e: {  	_ =	swait.ge [sflag:s23], $0x200  }
0x6f: {  	[sflag:s23] =	ssyncset.done $0x0  }
0x70: {  	[sflag:s23] =	ssyncadd.s32 $0xFFFFFE00  }
0x71: {  	_ =	swait.ge [sflag:s23], $0x200  }
0x72: {  	[sflag:s23] =	ssyncset.done $0x0  }
0x73: {  	[sflag:s23] =	ssyncadd.s32 $0xFFFFFE00  }
0x74: {  	_ =	swait.ge [sflag:s23], $0x200  }
0x75: {  	[sflag:s23] =	ssyncset.done $0x0  }
0x76: {  	[sflag:s23] =	ssyncadd.s32 $0xFFFFFE00  }
0x77: {  	_ =	swait.ge [sflag:s23], $0x200  }
0x78: {  	[sflag:s23] =	ssyncset.done $0x0  }
0x79: {  	[sflag:s23] =	ssyncadd.s32 $0xFFFFFE00  }
0x7a: {  	_ =	swait.ge [sflag:s23], $0x200  }
0x7b: {  	[sflag:s23] =	ssyncset.done $0x0  }
0x7c: {  	[sflag:s23] =	ssyncadd.s32 $0xFFFFFE00  }
0x7d: {  	_ =	swait.ge [sflag:s23], $0x200  }
0x7e: {  	[sflag:s23] =	ssyncset.done $0x0  }
0x7f: {  	[sflag:s23] =	ssyncadd.s32 $0xFFFFFE00  }
0x80: {  	_ =	swait.ge [sflag:s23], $0x200  }
0x81: {  	[sflag:s23] =	ssyncset.done $0x0  }
0x82: {  	[sflag:s23] =	ssyncadd.s32 $0xFFFFFE00  }
0x83: {  	_ =	swait.ge [sflag:s23], $0x200  }
0x84: {  	[sflag:s23] =	ssyncset.done $0x0  }
0x85: {  	[sflag:s23] =	ssyncadd.s32 $0xFFFFFE00  }
0x86: {  	_ =	swait.ge [sflag:s23], $0x200  }
0x87: {  	[sflag:s23] =	ssyncset.done $0x0  }
0x88: {  	[sflag:s23] =	ssyncadd.s32 $0xFFFFFE00  }
0x89: {  	_ =	swait.ge [sflag:s23], $0x200  }
0x8a: {  	s29 =	ssub.s32 $0x2, s29;
	[sflag:s23] =	ssyncset.done $0x0  }
0x8b: {  	s30 =	sshrl.u32 s29, $0x1;
	[sflag:s23] =	ssyncadd.s32 $0xFFFFFE00  }
0x8c: {  	s29 =	ssub.s32 s29, s30;
	_ =	swait.ge [sflag:s23], $0x200  }
0x8d: {  	s29 =	smax.u32 s29, $0x1;
	[sflag:s23] =	ssyncset.done $0x0  }
0x8e: {  	s29 =	sadd.s32 $0xFFFFFFFF, s29;
	[sflag:s23] =	ssyncadd.s32 $0xFFFFFE00  }
0x8f: {  	p1 =	sne.s32 s29, $0x0;
	_ =	swait.ge [sflag:s23], $0x200  }
.Ltmp0:
0x90: {  	[sflag:s23] =	ssyncset.done $0x0;
	(pc) =	sbr.rel @!p1 .LBB2_2-.Ltmp0, $4  }
0x91: {  	[sflag:s23] =	ssyncadd.s32 $0xFFFFFE00  }
0x92: {  	_ =	swait.ge [sflag:s23], $0x200  }
0x93: {  	[sflag:s23] =	ssyncset.done $0x0  }
0x94: {  	s17 =	simm.s32 $0x4580;
	[sflag:s23] =	ssyncadd.s32 $0xFFFFFE00  }
.LBB2_1:
0x95: {  	_ =	swait.ge [sflag:s23], $0x110  }
0x96: {  	[sflag:s23] =	ssyncset.done $0x0  }
0x97: {  	[sflag:s23] =	ssyncadd.s32 $0xFFFFFEF0  }
0x98: {  	s31 =	simm.s32 @!p0 $0x1;
	[bflag:$0x0] =	sbarrier.arrive $0xFFFF  }
0x99: {  	s0 =	simm.s32 @!p0 $0x20;
	s9 =	simm.s32 @!p0 $0x10;
	s30 =	rddreg [dreg:$0x8]  }
0x9a: {  	[hbm:s30@s0], [sflag:s5] =	dma.strided @!p0 [spmem:s3@s9], $0x4F0, s31, $0x10   }
0x9b: {  	_ =	swait.ge @!p0 [sflag:s4], $0x4F0  }
0x9c: {  	[sflag:s4] =	ssyncset.done @!p0 $0x0  }
0x9d: {  	s0 =	rddreg [dreg:$0x5];
	[sflag:s4] =	ssyncadd.s32 @!p0 $0xFFFFFB10  }
0x9e: {  	[spmem:s3], [sflag:s5] =	dma.local @!p0 [hbm:s0], $0x4F0  }
0x9f: {  	_ =	swait.ge @!p0 [sflag:s4], $0x4F0  }
0xa0: {  	[sflag:s4] =	ssyncset.done @!p0 $0x0  }
0xa1: {  	s14 =	rddreg [dreg:$0x6];
	[sflag:s4] =	ssyncadd.s32 @!p0 $0xFFFFFB10  }
0xa2: {  	[tilespmem:s2], [sflag:$0x2] =	stream.linear.gather [hbm4b:s14+s2], $0x2710, $0x38;
	[tilespmem:$0x5178] =	vst v63  }
0xa3: {  	_ =	swait.ge [sflag:s6], $0x2710  }
0xa4: {  	[sflag:s6] =	ssyncset.done $0x0  }
0xa5: {  	s15 =	rddreg [dreg:$0x7];
	[sflag:s6] =	ssyncadd.s32 $0xFFFFD8F0  }
0xa6: {  	[tilespmem:s7], [sflag:$0x2] =	stream.linear.gather [hbm4b:s15+s2], $0x2710, $0x38;
	[tilespmem:$0x5178] =	vst v63  }
0xa7: {  	_ =	swait.ge [sflag:s6], $0x2710  }
0xa8: {  	[sflag:s6] =	ssyncset.done $0x0  }
0xa9: {  	[sflag:s6] =	ssyncadd.s32 $0xFFFFD8F0  }
0xaa: {  	[bflag:$0x0] =	sbarrier.arrive $0xFFFF  }
0xab: {  	s0 =	rddreg [dreg:$0x1b]  }
0xac: {  	s9 =	rddreg [dreg:$0x19]  }
0xad: {  	s30 =	rddreg [dreg:$0x17]  }
0xae: {  	s31 =	rddreg [dreg:$0x15]  }
0xaf: {  	s10 =	rddreg [dreg:$0x13]  }
0xb0: {  	s11 =	rddreg [dreg:$0x11]  }
0xb1: {  	s12 =	rddreg [dreg:$0xf]  }
0xb2: {  	s13 =	rddreg [dreg:$0xd]  }
0xb3: {  	[spmem:s1] =	stream.indirect.scatter.add.f32 [tilespmem:s7], [sflag:$0x1], $0x1, s2, s8, $0xb8;
	[tilespmem:$0x5178] =	vst v63  }
0xb4: {  	s14 =	rddreg [dreg:$0x9]  }
0xb5: {  	s15 =	rddreg [dreg:$0xb]  }
0xb6: {  	[spmem:s1] =	stream.indirect.scatter.add.f32 [tilespmem:s14], [sflag:$0x1], $0x1, s8, s8, $0xb8;
	[tilespmem:$0x5178] =	vst v63  }
0xb7: {  	s16 =	rddreg [dreg:$0xa]  }
0xb8: {  	[spmem:s1] =	stream.indirect.scatter.add.f32 [tilespmem:s15], [sflag:$0x1], $0x1, s16, s8, $0xb8;
	[tilespmem:$0x5178] =	vst v63  }
0xb9: {  	s14 =	rddreg [dreg:$0xc]  }
0xba: {  	[spmem:s1] =	stream.indirect.scatter.add.f32 [tilespmem:s13], [sflag:$0x1], $0x1, s14, s8, $0xb8;
	[tilespmem:$0x5178] =	vst v63  }
0xbb: {  	s16 =	rddreg [dreg:$0xe]  }
0xbc: {  	[spmem:s1] =	stream.indirect.scatter.add.f32 [tilespmem:s12], [sflag:$0x1], $0x1, s16, s8, $0xb8;
	[tilespmem:$0x5178] =	vst v63  }
0xbd: {  	s14 =	rddreg [dreg:$0x10]  }
0xbe: {  	[spmem:s1] =	stream.indirect.scatter.add.f32 [tilespmem:s11], [sflag:$0x1], $0x1, s14, s8, $0xb8;
	[tilespmem:$0x5178] =	vst v63  }
0xbf: {  	s16 =	rddreg [dreg:$0x12]  }
0xc0: {  	[spmem:s1] =	stream.indirect.scatter.add.f32 [tilespmem:s10], [sflag:$0x1], $0x1, s16, s8, $0xb8;
	[tilespmem:$0x5178] =	vst v63  }
0xc1: {  	s14 =	rddreg [dreg:$0x14]  }
0xc2: {  	[spmem:s1] =	stream.indirect.scatter.add.f32 [tilespmem:s31], [sflag:$0x1], $0x1, s14, s8, $0xb8;
	[tilespmem:$0x5178] =	vst v63  }
0xc3: {  	s15 =	rddreg [dreg:$0x16]  }
0xc4: {  	[spmem:s1] =	stream.indirect.scatter.add.f32 [tilespmem:s30], [sflag:$0x1], $0x1, s15, s8, $0xb8;
	[tilespmem:$0x5178] =	vst v63  }
0xc5: {  	s16 =	rddreg [dreg:$0x18]  }
0xc6: {  	[spmem:s1] =	stream.indirect.scatter.add.f32 [tilespmem:s9], [sflag:$0x1], $0x1, s16, s8, $0xb8;
	[tilespmem:$0x5178] =	vst v63  }
0xc7: {  	s30 =	rddreg [dreg:$0x1a]  }
0xc8: {  	[spmem:s1] =	stream.indirect.scatter.add.f32 [tilespmem:s0], [sflag:$0x1], $0x1, s30, s8, $0xb8;
	[tilespmem:$0x5178] =	vst v63  }
0xc9: {  	s11 =	simm.s32 $0x3D80;
	s31 =	rddreg [dreg:$0x1c]  }
0xca: {  	[spmem:s1] =	stream.indirect.scatter.add.f32 [tilespmem:s11], [sflag:$0x1], $0x1, s31, s8, $0xb8;
	[tilespmem:$0x5178] =	vst v63  }
0xcb: {  	s13 =	simm.s32 $0x3F80;
	s12 =	simm.s32 $0x1800  }
0xcc: {  	[spmem:s1] =	stream.indirect.scatter.add.f32 [tilespmem:s13], [sflag:$0x1], $0x1, s12, s8, $0xb8;
	[tilespmem:$0x5178] =	vst v63  }
0xcd: {  	s14 =	simm.s32 $0x1A00;
	s15 =	simm.s32 $0x4180  }
0xce: {  	[spmem:s1] =	stream.indirect.scatter.add.f32 [tilespmem:s15], [sflag:$0x1], $0x1, s14, s8, $0xb8;
	[tilespmem:$0x5178] =	vst v63  }
0xcf: {  	s16 =	simm.s32 $0x1C00;
	s30 =	simm.s32 $0x4380  }
0xd0: {  	[spmem:s1] =	stream.indirect.scatter.add.f32 [tilespmem:s30], [sflag:$0x1], $0x1, s16, s8, $0xb8;
	[tilespmem:$0x5178] =	vst v63  }
0xd1: {  	s31 =	simm.s32 $0x1E00  }
0xd2: {  	[spmem:s1] =	stream.indirect.scatter.add.f32 [tilespmem:s17], [sflag:$0x1], $0x1, s31, s8, $0xb8;
	[tilespmem:$0x5178] =	vst v63  }
0xd3: {  	_ = 	snop  }
0xd4: {  	[spmem:s1] =	stream.indirect.scatter.add.f32 [tilespmem:s19], [sflag:$0x1], $0x1, s18, s8, $0xb8;
	[tilespmem:$0x5178] =	vst v63  }
0xd5: {  	_ = 	snop  }
0xd6: {  	[spmem:s1] =	stream.indirect.scatter.add.f32 [tilespmem:s21], [sflag:$0x1], $0x1, s20, s8, $0xb8;
	[tilespmem:$0x5178] =	vst v63  }
0xd7: {  	_ = 	snop  }
0xd8: {  	[spmem:s1] =	stream.indirect.scatter.add.f32 [tilespmem:s24], [sflag:$0x1], $0x1, s22, s8, $0xb8;
	[tilespmem:$0x5178] =	vst v63  }
0xd9: {  	_ = 	snop  }
0xda: {  	[spmem:s1] =	stream.indirect.scatter.add.f32 [tilespmem:s28], [sflag:$0x1], $0x1, s26, s25, $0xb8;
	[tilespmem:$0x5178] =	vst v63  }
0xdb: {  	_ =	swait.ge [sflag:s23], $0x200  }
0xdc: {  	[sflag:s23] =	ssyncset.done $0x0  }
0xdd: {  	[sflag:s23] =	ssyncadd.s32 $0xFFFFFE00  }
0xde: {  	_ =	swait.ge [sflag:s23], $0x200  }
0xdf: {  	[sflag:s23] =	ssyncset.done $0x0  }
0xe0: {  	[sflag:s23] =	ssyncadd.s32 $0xFFFFFE00  }
0xe1: {  	_ =	swait.ge [sflag:s23], $0x200  }
0xe2: {  	[sflag:s23] =	ssyncset.done $0x0  }
0xe3: {  	[sflag:s23] =	ssyncadd.s32 $0xFFFFFE00  }
0xe4: {  	_ =	swait.ge [sflag:s23], $0x200  }
0xe5: {  	[sflag:s23] =	ssyncset.done $0x0  }
0xe6: {  	[sflag:s23] =	ssyncadd.s32 $0xFFFFFE00  }
0xe7: {  	_ =	swait.ge [sflag:s23], $0x200  }
0xe8: {  	[sflag:s23] =	ssyncset.done $0x0  }
0xe9: {  	[sflag:s23] =	ssyncadd.s32 $0xFFFFFE00  }
0xea: {  	_ =	swait.ge [sflag:s23], $0x200  }
0xeb: {  	[sflag:s23] =	ssyncset.done $0x0  }
0xec: {  	[sflag:s23] =	ssyncadd.s32 $0xFFFFFE00  }
0xed: {  	_ =	swait.ge [sflag:s23], $0x200  }
0xee: {  	[sflag:s23] =	ssyncset.done $0x0  }
0xef: {  	[sflag:s23] =	ssyncadd.s32 $0xFFFFFE00  }
0xf0: {  	_ =	swait.ge [sflag:s23], $0x200  }
0xf1: {  	[sflag:s23] =	ssyncset.done $0x0  }
0xf2: {  	[sflag:s23] =	ssyncadd.s32 $0xFFFFFE00  }
0xf3: {  	_ =	swait.ge [sflag:s23], $0x200  }
0xf4: {  	[sflag:s23] =	ssyncset.done $0x0  }
0xf5: {  	[sflag:s23] =	ssyncadd.s32 $0xFFFFFE00  }
0xf6: {  	_ =	swait.ge [sflag:s23], $0x200  }
0xf7: {  	[sflag:s23] =	ssyncset.done $0x0  }
0xf8: {  	[sflag:s23] =	ssyncadd.s32 $0xFFFFFE00  }
0xf9: {  	_ =	swait.ge [sflag:s23], $0x200  }
0xfa: {  	[sflag:s23] =	ssyncset.done $0x0  }
0xfb: {  	[sflag:s23] =	ssyncadd.s32 $0xFFFFFE00  }
0xfc: {  	_ =	swait.ge [sflag:s23], $0x200  }
0xfd: {  	[sflag:s23] =	ssyncset.done $0x0  }
0xfe: {  	[sflag:s23] =	ssyncadd.s32 $0xFFFFFE00  }
0xff: {  	_ =	swait.ge [sflag:s23], $0x200  }
0x100: {  	[sflag:s23] =	ssyncset.done $0x0  }
0x101: {  	[sflag:s23] =	ssyncadd.s32 $0xFFFFFE00  }
0x102: {  	_ =	swait.ge [sflag:s23], $0x200  }
0x103: {  	[sflag:s23] =	ssyncset.done $0x0  }
0x104: {  	[sflag:s23] =	ssyncadd.s32 $0xFFFFFE00  }
0x105: {  	_ =	swait.ge [sflag:s23], $0x200  }
0x106: {  	[sflag:s23] =	ssyncset.done $0x0  }
0x107: {  	[sflag:s23] =	ssyncadd.s32 $0xFFFFFE00  }
0x108: {  	_ =	swait.ge [sflag:s23], $0x200  }
0x109: {  	[sflag:s23] =	ssyncset.done $0x0  }
0x10a: {  	[sflag:s23] =	ssyncadd.s32 $0xFFFFFE00  }
0x10b: {  	_ =	swait.ge [sflag:s23], $0x200  }
0x10c: {  	[sflag:s23] =	ssyncset.done $0x0  }
0x10d: {  	s29 =	sadd.s32 $0xFFFFFFFF, s29;
	[sflag:s23] =	ssyncadd.s32 $0xFFFFFE00  }
0x10e: {  	p1 =	sne.s32 s29, $0x0;
	_ =	swait.ge [sflag:s23], $0x200  }
.Ltmp1:
0x10f: {  	[sflag:s23] =	ssyncset.done $0x0;
	(pc) =	sbr.rel @p1 .LBB2_1-.Ltmp1, $4  }
0x110: {  	[sflag:s23] =	ssyncadd.s32 $0xFFFFFE00  }
0x111: {  	_ =	swait.ge [sflag:s23], $0x200  }
0x112: {  	[sflag:s23] =	ssyncset.done $0x0  }
0x113: {  	[sflag:s23] =	ssyncadd.s32 $0xFFFFFE00  }
.LBB2_2:
0x114: {  	_ =	swait.ge [sflag:s23], $0x110  }
0x115: {  	[sflag:s23] =	ssyncset.done $0x0  }
0x116: {  	[sflag:s23] =	ssyncadd.s32 $0xFFFFFEF0  }
0x117: {  	s1 =	simm.s32 @!p0 $0x1;
	[bflag:$0x0] =	sbarrier.arrive $0xFFFF  }
0x118: {  	s2 =	simm.s32 @!p0 $0x20;
	s6 =	simm.s32 @!p0 $0x10;
	s0 =	rddreg [dreg:$0x8]  }
0x119: {  	[hbm:s0@s2], [sflag:s5] =	dma.strided @!p0 [spmem:s3@s6], $0x4F0, s1, $0x10   }
0x11a: {  	_ =	swait.ge @!p0 [sflag:s4], $0x4F0  }
0x11b: {  	[sflag:s4] =	ssyncset.done @!p0 $0x0  }
0x11c: {  	[sflag:s4] =	ssyncadd.s32 @!p0 $0xFFFFFB10  }
0x11d: {  	_ =	sfence.sel $0x180000  }
0x11e: {  	[bflag:$0x0] =	sbarrier.arrive $0xFFFF  }
0x11f: {  	_ =	strace $0x90000047  }
0x120: {  	[bflag:$0x2] =	sbarrier.arrive $0xFFFF  }
0x121: {  	s0 =	rddreg [dreg:$0x4]  }
0x122: {  	s0 =	sadd.s32 @!p0 $0x100000, s0  }
0x123: {  	[sflag:s0] =	ssyncadd.tile.s32 @!p0 $0x1;
	_ =	shalt  }
.Lfunc_end2:
_tile_overlayer_lowered:
.L_overlay_start_2:
0x124: {  	(tag) =	ssettag $0x2  }
0x125: {  	s0 =	rddreg [dreg:$0x0];
	s2 =	stileid.u32  }
0x126: {  	s1 =	rddreg [dreg:$0x1];
	p0 =	sne.s32 s2, $0x0  }
0x127: {  	s3 =	rddreg [dreg:$0x2];
	[bflag:$0x3] =	sbarrier.arrive $0xFFFF;
	s2 =	simm.s32 @!p0 $0x1C02  }
0x128: {  	[timem:s3], [sflag:s2] =	dma.local @!p0 [hbm:s0], s1  }
0x129: {  	s0 =	simm.s32 @!p0 $0x2  }
0x12a: {  	_ =	swait.ge @!p0 [sflag:s0], s1  }
0x12b: {  	s1 =	ssub.s32 @!p0 $0x0, s1;
	[sflag:s0] =	ssyncset.done @!p0 $0x0  }
0x12c: {  	[sflag:s0] =	ssyncadd.s32 @!p0 s1  }
0x12d: {  	[bflag:$0x3] =	sbarrier.arrive $0xFFFF  }
0x12e: {  	_ =	shalt  }

// kernel: kernel.9.cloned.1.call-start
scs
__scs_entry_jumppad:
0x0: {  	(pc) =	sbr.rel $0x88, $3  }
0x1: {  	(tag) =	ssettag $0x0;
	lr =	simm.s32 $0x1  }
0x2: {  	[smem:$0x3F96] =	sst lr;
	_ =	strace $0xD0000000  }
0x3: {  	_ = 	snop  }
0x4: {  	_ = 	snop  }
0x5: {  	_ = 	snop  }
0x6: {  	_ = 	snop  }
0x7: {  	_ = 	snop  }
__scs_overlays_trampoline_lowered:
0x8: {  	[smem:$0x3FA5] =	sst s0  }
0x9: {  	[smem:$0x3FA6] =	sst s1  }
0xa: {  	[smem:$0x3FA7] =	sst s2  }
0xb: {  	[smem:$0x3FA8] =	sst s3  }
0xc: {  	[smem:$0x3FA9] =	sst s4  }
0xd: {  	[smem:$0x3FAA] =	sst s5  }
0xe: {  	[smem:$0x3FAB] =	sst s6  }
0xf: {  	[smem:$0x3FAC] =	sst s7  }
0x10: {  	[smem:$0x3FAD] =	sst s8  }
0x11: {  	[smem:$0x3FAE] =	sst s9;
	s0 =	simm.s32 @!p0 $0x0  }
0x12: {  	s1 =	sld [smem:$0x3F94];
	s0 =	simm.s32 @p0 $0x1  }
0x13: {  	[smem:$0x3FAF] =	sst s0;
	s0 =	simm.s32 @!p1 $0x0  }
0x14: {  	s2 =	sld [smem:$0x3F93];
	s0 =	simm.s32 @p1 $0x1  }
0x15: {  	[smem:$0x3FB0] =	sst s0;
	s0 =	simm.s32 @!p2 $0x0  }
0x16: {  	s3 =	sld [smem:$0x3FDB];
	s0 =	simm.s32 @p2 $0x1  }
0x17: {  	s4 =	simm.s32 $0x1BF5;
	[smem:$0x3FB2] =	sst s0  }
0x18: {  	s0 =	sld [smem:$0x3F95];
	_ =	swait.ge [sflag:s4], $0x0  }
0x19: {  	s7 =	sld [smem:$0x3F96]  }
0x1a: {  	s8 =	sadd.s32 $0xFFFFE003, lr  }
0x1b: {  	s9 =	sadd.s32 $0xFFFFFEF7, lr;
	s5 =	simm.s32 $0xFFFFFFFF;
	p2 =	slt.u32 s8, $0xFFFFF086  }
0x1c: {  	p1 =	slt.u32 s9, $0xF7A;
	s5 =	simm.s32 @!p2 $0x0  }
0x1d: {  	s5 =	simm.s32 @p1 $0x1;
	p0 =	seq.s32 s7, s2  }
0x1e: {  	s7 =	smul.u32 @!p0 $0xF7A, s2;
	p2 =	seq.s32 @!p0 s5, $0x0  }
0x1f: {  	s9 =	smul.u32 $0xF7A, s1;
	s8 =	simm.s32 @!p0 $0x1BF5;
	p2 =	por !p2, p0  }
0x20: {  	[sflag:s8] =	ssyncset.s32 @!p0 $0xFFFFF086;
	s6 =	sadd.s32 @!p0 s3, s7;
	s7 =	simm.s32 @!p0 $0x108  }
0x21: {  	s3 =	sadd.s32 s3, s9;
	s6 =	sadd.s32 @!p0 $0x88, s6;
	s7 =	simm.s32 @p2 $0x1082  }
0x22: {  	[simem:s7], [sflag:s8] =	dma.local @!p0 [hbm:s6], $0xF7A  }
0x23: {  	s9 =	sor.u32 $0xD0000000, s2;
	s6 =	simm.s32 $0x108;
	_ =	swait.ge @!p0 [sflag:s8], $0x0  }
0x24: {  	s3 =	sadd.s32 $0x88, s3;
	s6 =	simm.s32 @!p1 $0x1082;
	[sflag:s4] =	ssyncset.s32 $0xFFFFF086  }
0x25: {  	[simem:s6], [sflag:s4] =	dma.local [hbm:s3], $0xF7A  }
0x26: {  	[smem:$0x3F96] =	sst s1;
	(tag) =	ssettag s2;
	_ =	strace s9  }
0x27: {  	s1 =	sld [smem:$0x3FA6]  }
0x28: {  	s2 =	sld [smem:$0x3FA7]  }
0x29: {  	s4 =	sld [smem:$0x3FA9]  }
0x2a: {  	p0 =	seq.s32 s5, $0x0;
	s5 =	sld [smem:$0x3FAA]  }
0x2b: {  	s6 =	sld [smem:$0x3FAB]  }
0x2c: {  	s7 =	sld [smem:$0x3FAC]  }
0x2d: {  	s3 =	simm.s32 $0x108;
	s8 =	sld [smem:$0x3FAD]  }
0x2e: {  	s3 =	simm.s32 @!p0 $0x1082;
	s9 =	sld [smem:$0x3FAE]  }
0x2f: {  	lr =	sadd.s32 s0, s3;
	s0 =	sld [smem:$0x3FA5]  }
0x30: {  	s3 =	sld [smem:$0x3FA8]  }
0x31: {  	[smem:$0x3FB1] =	sst s10  }
0x32: {  	s10 =	sld [smem:$0x3FAF];
	_ =	sdelay $0x3  }
0x33: {  	p0 =	seq.s32 s10, $0x1;
	s10 =	sld [smem:$0x3FB1];
	_ =	sdelay $0x3  }
0x34: {  	[smem:$0x3FB1] =	sst s10  }
0x35: {  	s10 =	sld [smem:$0x3FB0];
	_ =	sdelay $0x3  }
0x36: {  	p1 =	seq.s32 s10, $0x1;
	s10 =	sld [smem:$0x3FB1];
	_ =	sdelay $0x3  }
0x37: {  	[smem:$0x3FB1] =	sst s10  }
0x38: {  	s10 =	sld [smem:$0x3FB2]  }
0x39: {  	_ = 	snop;
	(pc) =	sbr.ind lr, $3  }
0x3a: {  	_ = 	snop  }
0x3b: {  	_ = 	snop  }
0x3c: {  	p2 =	seq.s32 s10, $0x1;
	s10 =	sld [smem:$0x3FB1]  }
0x3d: {  	_ =	shalt  }
0x3e: {  	_ =	shalt  }
0x3f: {  	_ =	shalt  }
0x40: {  	_ =	shalt  }
0x41: {  	_ =	shalt  }
0x42: {  	_ =	shalt  }
0x43: {  	_ =	shalt  }
0x44: {  	_ =	shalt  }
0x45: {  	_ =	shalt  }
0x46: {  	_ =	shalt  }
0x47: {  	_ =	shalt  }
0x48: {  	_ =	shalt  }
0x49: {  	_ =	shalt  }
0x4a: {  	_ =	shalt  }
0x4b: {  	_ =	shalt  }
0x4c: {  	_ =	shalt  }
0x4d: {  	_ =	shalt  }
0x4e: {  	_ =	shalt  }
0x4f: {  	_ =	shalt  }
0x50: {  	_ =	shalt  }
0x51: {  	_ =	shalt  }
0x52: {  	_ =	shalt  }
0x53: {  	_ =	shalt  }
0x54: {  	_ =	shalt  }
0x55: {  	_ =	shalt  }
0x56: {  	_ =	shalt  }
0x57: {  	_ =	shalt  }
0x58: {  	_ =	shalt  }
0x59: {  	_ =	shalt  }
0x5a: {  	_ =	shalt  }
0x5b: {  	_ =	shalt  }
0x5c: {  	_ =	shalt  }
0x5d: {  	_ =	shalt  }
0x5e: {  	_ =	shalt  }
0x5f: {  	_ =	shalt  }
0x60: {  	_ =	shalt  }
0x61: {  	_ =	shalt  }
0x62: {  	_ =	shalt  }
0x63: {  	_ =	shalt  }
0x64: {  	_ =	shalt  }
0x65: {  	_ =	shalt  }
0x66: {  	_ =	shalt  }
0x67: {  	_ =	shalt  }
0x68: {  	_ =	shalt  }
0x69: {  	_ =	shalt  }
0x6a: {  	_ =	shalt  }
0x6b: {  	_ =	shalt  }
0x6c: {  	_ =	shalt  }
0x6d: {  	_ =	shalt  }
0x6e: {  	_ =	shalt  }
0x6f: {  	_ =	shalt  }
0x70: {  	_ =	shalt  }
0x71: {  	_ =	shalt  }
0x72: {  	_ =	shalt  }
0x73: {  	_ =	shalt  }
0x74: {  	_ =	shalt  }
0x75: {  	_ =	shalt  }
0x76: {  	_ =	shalt  }
0x77: {  	_ =	shalt  }
0x78: {  	_ =	shalt  }
0x79: {  	_ =	shalt  }
0x7a: {  	_ =	shalt  }
0x7b: {  	_ =	shalt  }
0x7c: {  	_ =	shalt  }
0x7d: {  	_ =	shalt  }
0x7e: {  	_ =	shalt  }
0x7f: {  	_ =	shalt  }
0x80: {  	_ =	shalt  }
0x81: {  	_ =	shalt  }
0x82: {  	_ =	shalt  }
0x83: {  	_ =	shalt  }
0x84: {  	_ =	shalt  }
0x85: {  	_ =	shalt  }
0x86: {  	_ =	shalt  }
0x87: {  	_ =	shalt  }
.Lfunc_end0:
.L_simem_size_0:
called_computation.1_lowered:
.L_overlay_start_0:
0x88: {  	s2 =	sld [smem:$0x3FD9]  }
0x89: {  	s3 =	sld [smem:$0x3FFE];
	_ =	sdelay $0x1  }
0x8a: {  	s1 =	srdreg.scid  }
0x8b: {  	s0 =	sand.u32 $0x1, s1  }
0x8c: {  	s17 =	sshll.u32 s0, $0xA;
	s2 =	sadd.s32 s3, s2  }
0x8d: {  	s2 =	sadd.s32 s2, s17  }
0x8e: {  	[smem:$0x3FBD] =	sst s2  }
0x8f: {  	_ = 	snop  }
0x90: {  	s2 =	sld [smem:$0x3FC6]  }
0x91: {  	s18 =	sld [smem:$0x3FD0];
	(tm) =	ssettm $0x1  }
0x92: {  	s4 =	sld [smem:$0x3FFB];
	_ =	sdelay $0x3  }
0x93: {  	_ =	strace s4  }
0x94: {  	s4 =	sld [smem:$0x3FFC];
	_ =	sdelay $0x3  }
0x95: {  	_ =	strace s4  }
0x96: {  	s4 =	sld [smem:$0x3FFD];
	_ =	sdelay $0x3  }
0x97: {  	_ =	strace s4  }
0x98: {  	_ =	strace $0x8FFFFFFF  }
0x99: {  	s19 =	sld [smem:$0x3FDB];
	_ =	sdelay $0x1  }
0x9a: {  	s5 =	simm.s32 $_scs_section_size  }
0x9b: {  	s6 =	simm.s32 $_size__tile_overlayer_lowered;
	s7 =	simm.s32 $_tile_overlayer_lowered  }
0x9c: {  	s22 =	simm.s32 $0x1BFF;
	s21 =	sshll.u32 s7, $0x1;
	s4 =	sadd.s32 s5, s19  }
0x9d: {  	s8 =	simm.s32 $0x0;
	s20 =	sshll.u32 s6, $0x1;
	s6 =	sadd.s32 s21, s4  }
0x9e: {  	[timem:s8], [sflag:s22] =	dma.local [hbm:s6], s20  }
0x9f: {  	_ =	swait.ge [sflag:s22], s20  }
0xa0: {  	s5 =	ssub.s32 $0x0, s20;
	[sflag:s22] =	ssyncset.done $0x0  }
0xa1: {  	[sflag:s22] =	ssyncadd.s32 s5;
	_ =	sdelay $0x1  }
0xa2: {  	s23 =	simm.s32 $0x1B8B  }
0xa3: {  	_ =	swait.ge [sflag:s23], $0x1  }
0xa4: {  	[sflag:s23] =	ssyncset.done $0x0  }
0xa5: {  	s25 =	simm.s32 $0x1B8E;
	s24 =	sld [smem:$0x3FFE];
	[sflag:s23] =	ssyncadd.s32 $0xFFFFFFFF  }
0xa6: {  	s26 =	simm.s32 $execute0_lowered;
	[smem:$0x3FD2] =	sst s25  }
0xa7: {  	s6 =	sshll.u32 s26, $0x1;
	_ =	strace $0x80000049;
	[dreg:$0x1] =	wrdreg $0xFFFFFFFF  }
0xa8: {  	s28 =	simm.s32 $_size_execute0_lowered;
	s4 =	sadd.s32 s4, s6;
	[dreg:$0x0] =	wrdreg $0x0  }
0xa9: {  	s6 =	sshll.u32 s28, $0x1;
	[dreg:$0x2] =	wrdreg s4  }
0xaa: {  	[dreg:$0x3] =	wrdreg s6  }
0xab: {  	[dreg:$0x4] =	wrdreg $0xC0  }
0xac: {  	_ =	task [dreg:s8], $0x5FFFF  }
0xad: {  	[dreg:$0x1] =	wrdreg $0xFFFFFFFF  }
0xae: {  	[dreg:$0x0] =	wrdreg $0x60  }
0xaf: {  	[dreg:$0x2] =	wrdreg s24  }
0xb0: {  	[dreg:$0x3] =	wrdreg s2  }
0xb1: {  	[dreg:$0x4] =	wrdreg s18  }
0xb2: {  	[dreg:$0x5] =	wrdreg $0x1B2800  }
0xb3: {  	[dreg:$0x6] =	wrdreg $0x1B4F80  }
0xb4: {  	[dreg:$0x7] =	wrdreg $0x1B7700  }
0xb5: {  	[dreg:$0x8] =	wrdreg $0x1B9E80  }
0xb6: {  	[dreg:$0x9] =	wrdreg $0x9  }
0xb7: {  	_ =	task.clear_ibuf [dreg:s8], $0xAFFFF;
	_ =	strace $0x90000049  }
0xb8: {  	s29 =	simm.s32 $0x9;
	_ =	strace $0x8000004B  }
0xb9: {  	_ =	swait.ge [sflag:s29], $0x1  }
0xba: {  	[sflag:s29] =	ssyncadd.s32 $0xFFFFFFFF  }
0xbb: {  	_ =	strace $0x9000004B  }
0xbc: {  	_ =	sfence  }
0xbd: {  	s30 =	sld [smem:$0x0];
	_ =	sdelay $0x2  }
0xbe: {  	s31 =	sshll.u32 s1, $0xD;
	s1 =	sshrl.u32 s1, $0x2  }
0xbf: {  	s3 =	sand.u32 $0x4000, s31;
	s1 =	sadd.s32 s1, s30  }
0xc0: {  	s0 =	sor.u32 s3, s0;
	s1 =	sshll.u32 s1, $0x11  }
0xc1: {  	s0 =	sor.u32 s1, s0  }
0xc2: {  	s0 =	sadd.s32 $0x8F2B, s0  }
0xc3: {  	[sflag:s0] =	ssyncadd.remote.s32 $0x1  }
0xc4: {  	_ =	sfence.sel $0xFFFF  }
0xc5: {  	[dreg:$0x0] =	wrdreg $0xFFFFFFFF;
	(pc) =	sbr.abs _section_cstart, $3  }
0xc6: {  	[dreg:$0x1] =	wrdreg $0xFFFFFFFF  }
0xc7: {  	_ =	task.clear_ibuf [dreg:s8], $0x2FFFF;
	_ =	strace $0x9FFFFFFF  }
0xc8: {  	(tm) =	ssettm $0x7FFFFFFF  }
0xc9: {  	_ =	shalt  }
tec
execute0_lowered:
.L_overlay_start_1:
0x0: {  	(tag) =	ssettag $0x1  }
0x1: {  	s0 =	rddreg [dreg:$0x0]  }
0x2: {  	s1 =	rddreg [dreg:$0x1]  }
0x3: {  	s2 =	rddreg [dreg:$0x3]  }
0x4: {  	s3 =	rddreg [dreg:$0x4]  }
0x5: {  	s4 =	rddreg [dreg:$0x5]  }
0x6: {  	s6 =	rddreg [dreg:$0x6];
	s7 =	simm.s32 $0x0  }
0x7: {  	s5 =	srdreg.scid;
	s12 =	stileid.u32;
	s20 =	simm.s32 $0x2780  }
0x8: {  	s21 =	simm.s32 $0x4F00;
	s28 =	simm.s32 $0x2;
	s29 =	simm.s32 $0x1  }
0x9: {  	s30 =	simm.s32 $0x200;
	s31 =	simm.s32 $0x110;
	[smem:$0x7FF] =	sst s7  }
0xa: {  	s5 =	sand.u32 $0x1, s5;
	s8 =	sshll.u32 s12, $0x1;
	s9 =	sadd.s32 $0x16E00, s0  }
0xb: {  	s22 =	sadd.s32 $0x17400, s0;
	s23 =	sadd.s32 $0x17A00, s0;
	s10 =	sadd.s32 $0x18000, s0  }
0xc: {  	p0 =	sne.s32 s12, $0x0;
	_ =	strace $0x8000004A;
	[dreg:$0x8] =	wrdreg s9  }
0xd: {  	s8 =	sor.u32 s5, s8;
	[dreg:$0x9] =	wrdreg s22;
	s24 =	smul.u32 $0x13C0, s5  }
0xe: {  	[dreg:$0xa] =	wrdreg s23;
	s5 =	ssub.s32 $0x2, s5;
	s8 =	smul.u32 $0x4E2, s8  }
0xf: {  	p1 =	seq.s32 s12, $0x1;
	[dreg:$0xb] =	wrdreg s10;
	s11 =	sshrl.u32 s5, $0x1  }
0x10: {  	s22 =	simm.s32 $0x7680;
	s5 =	ssub.s32 s5, s11;
	s25 =	sadd.s32 s8, s0  }
0x11: {  	s0 =	sadd.s32 s24, s0;
	s14 =	sadd.s32 s1, s8;
	s19 =	smax.u32 s5, $0x1  }
0x12: {  	s26 =	sadd.s32 $0x3200, s25;
	s13 =	sadd.s32 $0xD000, s25;
	s15 =	sadd.s32 $0x18600, s0  }
0x13: {  	s16 =	sadd.s32 $0x18610, s0;
	s17 =	sadd.s32 $0x18620, s0;
	s18 =	sadd.s32 $0x18630, s0  }
0x14: {  	s0 =	simm.s32 $0xEB80;
	[dreg:$0xc] =	wrdreg s26;
	s26 =	simm.s32 $0x0  }
.LBB2_1:
0x15: {  	s1 =	rddreg [dreg:$0x8]  }
0x16: {  	[tilespmem:s7], [sflag:$0x1] =	stream.linear.gather [hbm4b:s1+s7], $0x2780, $0x38;
	[tilespmem:$0x1BC60] =	vst v63  }
0x17: {  	s10 =	rddreg [dreg:$0x9]  }
0x18: {  	[tilespmem:s20], [sflag:$0x1] =	stream.linear.gather [hbm4b:s10+s7], $0x2780, $0x38;
	[tilespmem:$0x1BC60] =	vst v63  }
0x19: {  	s11 =	rddreg [dreg:$0xa]  }
0x1a: {  	[tilespmem:s21], [sflag:$0x1] =	stream.linear.gather [hbm4b:s11+s7], $0x2780, $0x38;
	[tilespmem:$0x1BC60] =	vst v63  }
0x1b: {  	s12 =	rddreg [dreg:$0xb]  }
0x1c: {  	[tilespmem:s22], [sflag:$0x1] =	stream.linear.gather [hbm4b:s12+s7], $0x2780, $0x38;
	[tilespmem:$0x1BC60] =	vst v63  }
0x1d: {  	s23 =	rddreg [dreg:$0xc];
	s5 =	simm.s32 $0x9E00  }
0x1e: {  	[tilespmem:s5], [sflag:$0x1] =	stream.linear.gather [hbm4b:s23+s7], $0x2710, $0x38;
	[tilespmem:$0x1BC60] =	vst v63  }
.Ltmp0:
0x1f: {  	_ = 	snop;
	(pc) =	sbr.rel @p1 .LBB2_4-.Ltmp0, $4  }
0x20: {  	s24 =	simm.s32 $0xC580  }
0x21: {  	[tilespmem:s24], [sflag:$0x1] =	stream.linear.gather [hbm4b:s13+s7], $0x2710, $0x38;
	[tilespmem:$0x1BC60] =	vst v63  }
0x22: {  	s25 =	simm.s32 $0xED00  }
0x23: {  	[tilespmem:s25], [sflag:$0x1] =	stream.linear.gather [hbm4b:s14+s7], $0x2710, $0x38;
	[tilespmem:$0x1BC60] =	vst v63  }
.Ltmp1:
0x24: {  	(pc) =	sbr.rel @p0 .LBB2_6-.Ltmp1, $2  }
0x25: {  	_ =	sdelay $0x2  }
0x26: {  	p2 =	por $0x0, $0x0  }
0x27: {  	s1 =	sshrl.u32 s2, $0x3;
	s5 =	rddreg [dreg:$0x2];
	s8 =	simm.s32 $0x1C02  }
0x28: {  	[spmem:s1], [sflag:s8] =	dma.local [hbm:s5], $0x4F0  }
.Ltmp2:
0x29: {  	_ = 	snop;
	(pc) =	sbr.rel .LBB2_5-.Ltmp2, $4  }
0x2a: {  	_ =	swait.ge [sflag:s28], $0x4F0  }
0x2b: {  	[sflag:s28] =	ssyncset.done $0x0  }
0x2c: {  	s25 =	sshrl.u32 s3, $0x3;
	[sflag:s28] =	ssyncadd.s32 $0xFFFFFB10  }
0x2d: {  	[spmem:s25], [sflag:s8] =	dma.local [hbm:s5], $0x4F0  }
.LBB2_4:
0x2e: {  	s1 =	sshrl.u32 s4, $0x3;
	s5 =	rddreg [dreg:$0x2];
	s8 =	simm.s32 $0x1C42  }
0x2f: {  	[spmem:s1], [sflag:s8] =	dma.local [hbm:s5], $0x4F0  }
0x30: {  	_ =	swait.ge [sflag:s28], $0x4F0  }
0x31: {  	[sflag:s28] =	ssyncset.done $0x0  }
0x32: {  	s25 =	sshrl.u32 s6, $0x3;
	[sflag:s28] =	ssyncadd.s32 $0xFFFFFB10  }
0x33: {  	[spmem:s25], [sflag:s8] =	dma.local [hbm:s5], $0x4F0  }
.LBB2_5:
0x34: {  	_ =	swait.ge [sflag:s28], $0x4F0  }
0x35: {  	[sflag:s28] =	ssyncset.done $0x0  }
0x36: {  	p2 =	por p0, p0;
	[sflag:s28] =	ssyncadd.s32 $0xFFFFFB10  }
.LBB2_6:
0x37: {  	_ =	swait.ge [sflag:s29], $0x2780  }
0x38: {  	[sflag:s29] =	ssyncset.done $0x0  }
0x39: {  	[sflag:s29] =	ssyncadd.s32 $0xFFFFD880  }
0x3a: {  	_ =	swait.ge [sflag:s29], $0x2780  }
0x3b: {  	[sflag:s29] =	ssyncset.done $0x0  }
0x3c: {  	[sflag:s29] =	ssyncadd.s32 $0xFFFFD880  }
0x3d: {  	_ =	swait.ge [sflag:s29], $0x2780  }
0x3e: {  	[sflag:s29] =	ssyncset.done $0x0  }
0x3f: {  	[sflag:s29] =	ssyncadd.s32 $0xFFFFD880  }
0x40: {  	_ =	swait.ge [sflag:s29], $0x2780  }
0x41: {  	[sflag:s29] =	ssyncset.done $0x0  }
0x42: {  	[sflag:s29] =	ssyncadd.s32 $0xFFFFD880  }
0x43: {  	_ =	swait.ge [sflag:s29], $0x2710  }
0x44: {  	[sflag:s29] =	ssyncset.done $0x0  }
0x45: {  	[sflag:s29] =	ssyncadd.s32 $0xFFFFD8F0  }
0x46: {  	_ =	swait.ge [sflag:s29], $0x2710  }
0x47: {  	[sflag:s29] =	ssyncset.done $0x0  }
0x48: {  	[sflag:s29] =	ssyncadd.s32 $0xFFFFD8F0  }
0x49: {  	s5 =	simm.s32 $0x0;
	_ =	swait.ge [sflag:s29], $0x2710  }
0x4a: {  	s23 =	simm.s32 $0x9E00;
	s24 =	simm.s32 $0xED00;
	[sflag:s29] =	ssyncset.done $0x0  }
0x4b: {  	s25 =	simm.s32 $0x11480;
	s1 =	simm.s32 $0x13C00;
	[sflag:s29] =	ssyncadd.s32 $0xFFFFD8F0  }
0x4c: {  	s8 =	simm.s32 $0x16380;
	s9 =	simm.s32 $0x18B00;
	[bflag:$0x0] =	sbarrier.arrive $0xFFFF  }
.LBB2_7:
0x4d: {  	v4 =	vmov s23  }
0x4e: {  	v5 =	vmov s24;
	_ =	sdelay $0x1  }
0x4f: {  	v3 =	vmov s25  }
0x50: {  	s10 =	sshll.u32 s5, $0x9;
	v2 =	vmov s1;
	v1 =	vmov s8;
	v0 =	vmov s9;
	s11 =	simm.s32 $0x0;
	s12 =	simm.s32 $0x40  }
.LBB2_8:
0x51: {  	p3 =	sne.s32 s12, $0x7C0;
	v6 =	vld.idx.msk [tilespmem:v4+s11+$0x0 ss:$0x1], $0xffff  }
0x52: {  	v7 =	vld.idx.msk [tilespmem:v5+s11+$0x0 ss:$0x1], $0xffff;
	_ =	sdelay $0x6  }
0x53: {  	v8 =	vld.idx.msk [tilespmem:v6+s7+$0x0], $0xffff;
	_ =	sdelay $0x5  }
0x54: {  	v8 =	vmul.f32 v8, v7;
	_ =	sdelay $0x1  }
0x55: {  	[tilespmem:v3+s11+$0x0 ss:$0x1] =	vst.idx.msk $0xffff, v8  }
0x56: {  	v8 =	vld.idx.msk [tilespmem:v6+s20+$0x0], $0xffff;
	_ =	sdelay $0x5  }
0x57: {  	v8 =	vmul.f32 v8, v7;
	_ =	sdelay $0x1  }
0x58: {  	[tilespmem:v2+s11+$0x0 ss:$0x1] =	vst.idx.msk $0xffff, v8  }
0x59: {  	v8 =	vld.idx.msk [tilespmem:v6+s21+$0x0], $0xffff;
	_ =	sdelay $0x5  }
0x5a: {  	v8 =	vmul.f32 v8, v7;
	_ =	sdelay $0x1  }
0x5b: {  	[tilespmem:v1+s11+$0x0 ss:$0x1] =	vst.idx.msk $0xffff, v8  }
0x5c: {  	v6 =	vld.idx.msk [tilespmem:v6+s22+$0x0], $0xffff;
	_ =	sdelay $0x3  }
.Ltmp3:
0x5d: {  	(pc) =	sbr.rel @p3 .LBB2_8-.Ltmp3, $3  }
0x5e: {  	_ = 	snop  }
0x5f: {  	v6 =	vmul.f32 v6, v7;
	_ =	sdelay $0x1  }
0x60: {  	[tilespmem:v0+s11+$0x0 ss:$0x1] =	vst.idx.msk $0xffff, v6;
	s11 =	sshra.s32 s12, $0x2;
	s12 =	sadd.s32 $0x40, s12  }
0x61: {  	_ =	sdelay $0x3  }
0x62: {  	v4 =	vld.idx.msk [tilespmem:v4+s11+$0x0 ss:$0x1], $0xffff;
	_ =	sdelay $0x6  }
0x63: {  	v5 =	vld.idx.msk [tilespmem:v5+s11+$0x0 ss:$0x1], $0xffff  }
0x64: {  	v6 =	vld.idx.msk [tilespmem:v4+s7+$0x0], $0xffff;
	_ =	sdelay $0x4  }
0x65: {  	v6 =	vmul.f32 v6, v5;
	_ =	sdelay $0x1  }
0x66: {  	[tilespmem:v3+s11+$0x0 ss:$0x1] =	vst.idx.msk $0xffff, v6  }
0x67: {  	v3 =	vld.idx.msk [tilespmem:v4+s20+$0x0], $0xffff;
	_ =	sdelay $0x4  }
0x68: {  	v3 =	vmul.f32 v3, v5;
	_ =	sdelay $0x1  }
0x69: {  	[tilespmem:v2+s11+$0x0 ss:$0x1] =	vst.idx.msk $0xffff, v3  }
0x6a: {  	v2 =	vld.idx.msk [tilespmem:v4+s21+$0x0], $0xffff;
	_ =	sdelay $0x4  }
0x6b: {  	v2 =	vmul.f32 v2, v5;
	_ =	sdelay $0x1  }
0x6c: {  	[tilespmem:v1+s11+$0x0 ss:$0x1] =	vst.idx.msk $0xffff, v2  }
0x6d: {  	v1 =	vld.idx.msk [tilespmem:v4+s22+$0x0], $0xffff;
	_ =	sdelay $0x4  }
0x6e: {  	v1 =	vmul.f32 v1, v5;
	_ =	sdelay $0x1  }
0x6f: {  	s12 =	sadd.s32 $0xC580, s10;
	s5 =	sadd.s32 $0x1, s5;
	[tilespmem:v0+s11+$0x0 ss:$0x1] =	vst.idx.msk $0xffff, v1;
	s11 =	sadd.s32 $0x11480, s10  }
0x70: {  	[spmem:s2] =	stream.indirect.scatter.add.f32 [tilespmem:s11], [sflag:$0x1], $0x1, s12, s30, $0xb8;
	[tilespmem:$0x1BC60] =	vst v63  }
0x71: {  	p3 =	sne.s32 s5, $0x13;
	s11 =	sadd.s32 $0x13C00, s10  }
0x72: {  	[spmem:s3] =	stream.indirect.scatter.add.f32 [tilespmem:s11], [sflag:$0x1], $0x1, s12, s30, $0xb8;
	[tilespmem:$0x1BC60] =	vst v63  }
.Ltmp4:
0x73: {  	s23 =	sadd.s32 $0x200, s23;
	s24 =	sadd.s32 $0x200, s24;
	(pc) =	sbr.rel @p3 .LBB2_7-.Ltmp4, $4  }
0x74: {  	s25 =	sadd.s32 $0x200, s25;
	s1 =	sadd.s32 $0x200, s1;
	s11 =	sadd.s32 $0x16380, s10  }
0x75: {  	[spmem:s4] =	stream.indirect.scatter.add.f32 [tilespmem:s11], [sflag:$0x1], $0x1, s12, s30, $0xb8;
	[tilespmem:$0x1BC60] =	vst v63  }
0x76: {  	s8 =	sadd.s32 $0x200, s8;
	s9 =	sadd.s32 $0x200, s9;
	s11 =	sadd.s32 $0x18B00, s10  }
0x77: {  	[spmem:s6] =	stream.indirect.scatter.add.f32 [tilespmem:s11], [sflag:$0x1], $0x1, s12, s30, $0xb8;
	[tilespmem:$0x1BC60] =	vst v63  }
0x78: {  	s1 =	simm.s32 $0x0  }
0x79: {  	v1 =	vld [tilespmem:s1+$0xC400];
	_ =	sdelay $0x6  }
0x7a: {  	v0 =	vld [tilespmem:s1+$0x11300]  }
0x7b: {  	v2 =	vld.idx.msk [tilespmem:v1+s7+$0x0], $0xffff;
	_ =	sdelay $0x4  }
0x7c: {  	v2 =	vmul.f32 v2, v0;
	_ =	sdelay $0x1  }
0x7d: {  	[tilespmem:s1+$0x13A80] =	vst v2  }
0x7e: {  	v2 =	vld.idx.msk [tilespmem:v1+s20+$0x0], $0xffff;
	_ =	sdelay $0x4  }
0x7f: {  	v2 =	vmul.f32 v2, v0;
	_ =	sdelay $0x1  }
0x80: {  	[tilespmem:s1+$0x16200] =	vst v2  }
0x81: {  	v2 =	vld.idx.msk [tilespmem:v1+s21+$0x0], $0xffff;
	_ =	sdelay $0x4  }
0x82: {  	v2 =	vmul.f32 v2, v0;
	_ =	sdelay $0x1  }
0x83: {  	[tilespmem:s1+$0x18980] =	vst v2  }
0x84: {  	s8 =	simm.s32 $0x10;
	s5 =	simm.s32 $0x80;
	v1 =	vld.idx.msk [tilespmem:v1+s22+$0x0], $0xffff  }
.LBB2_11:
0x85: {  	p3 =	sne.s32 s5, $0x400;
	v2 =	vld [tilespmem:s8+$0xC400];
	_ =	sdelay $0x4  }
0x86: {  	v0 =	vmul.f32 v1, v0;
	_ =	sdelay $0x1  }
0x87: {  	[tilespmem:s1+$0x1B100] =	vst v0;
	s1 =	smov.u32 s8  }
0x88: {  	v1 =	vld.idx.msk [tilespmem:v2+s7+$0x0], $0xffff  }
0x89: {  	v0 =	vld [tilespmem:s1+$0x11300];
	_ =	sdelay $0x4  }
0x8a: {  	v1 =	vmul.f32 v1, v0;
	_ =	sdelay $0x1  }
0x8b: {  	[tilespmem:s1+$0x13A80] =	vst v1  }
0x8c: {  	v1 =	vld.idx.msk [tilespmem:v2+s20+$0x0], $0xffff;
	_ =	sdelay $0x5  }
0x8d: {  	v1 =	vmul.f32 v1, v0;
	_ =	sdelay $0x1  }
0x8e: {  	[tilespmem:s1+$0x16200] =	vst v1  }
0x8f: {  	v1 =	vld.idx.msk [tilespmem:v2+s21+$0x0], $0xffff;
	_ =	sdelay $0x4  }
.Ltmp5:
0x90: {  	(pc) =	sbr.rel @p3 .LBB2_11-.Ltmp5, $3  }
0x91: {  	v1 =	vmul.f32 v1, v0;
	_ =	sdelay $0x1  }
0x92: {  	[tilespmem:s1+$0x18980] =	vst v1  }
0x93: {  	s8 =	sshra.s32 s5, $0x2;
	s5 =	sadd.s32 $0x40, s5;
	v1 =	vld.idx.msk [tilespmem:v2+s22+$0x0], $0xffff  }
0x94: {  	v2 =	vld [tilespmem:s8+$0xC400];
	_ =	sdelay $0x3  }
0x95: {  	v0 =	vmul.f32 v1, v0;
	_ =	sdelay $0x1  }
0x96: {  	[tilespmem:s1+$0x1B100] =	vst v0  }
0x97: {  	v63 =	vld [tilespmem:s8+$0x11300]  }
0x98: {  	v0 =	vld.idx.msk [tilespmem:v2+s7+$0x0], $0xffff;
	_ =	sdelay $0x4  }
0x99: {  	v0 =	vmul.f32 v0, v63;
	_ =	sdelay $0x1  }
0x9a: {  	[tilespmem:s8+$0x13A80] =	vst v0  }
0x9b: {  	v0 =	vld.idx.msk [tilespmem:v2+s20+$0x0], $0xffff;
	_ =	sdelay $0x4  }
0x9c: {  	v0 =	vmul.f32 v0, v63;
	_ =	sdelay $0x1  }
0x9d: {  	[tilespmem:s8+$0x16200] =	vst v0  }
0x9e: {  	v0 =	vld.idx.msk [tilespmem:v2+s21+$0x0], $0xffff;
	_ =	sdelay $0x4  }
0x9f: {  	v0 =	vmul.f32 v0, v63;
	_ =	sdelay $0x1  }
0xa0: {  	[tilespmem:s8+$0x18980] =	vst v0  }
0xa1: {  	v0 =	vld.idx.msk [tilespmem:v2+s22+$0x0], $0xffff;
	_ =	sdelay $0x4  }
0xa2: {  	v0 =	vmul.f32 v0, v63;
	_ =	sdelay $0x1  }
0xa3: {  	s12 =	simm.s32 $0x13A80;
	[tilespmem:s8+$0x1B100] =	vst v0  }
0xa4: {  	[spmem:s2] =	stream.indirect.scatter.add.f32 [tilespmem:s12], [sflag:$0x1], $0x1, s0, s31, $0xb8;
	[tilespmem:$0x1BC60] =	vst v63  }
0xa5: {  	s23 =	simm.s32 $0x16200  }
0xa6: {  	[spmem:s3] =	stream.indirect.scatter.add.f32 [tilespmem:s23], [sflag:$0x1], $0x1, s0, s31, $0xb8;
	[tilespmem:$0x1BC60] =	vst v63  }
0xa7: {  	s24 =	simm.s32 $0x18980  }
0xa8: {  	[spmem:s4] =	stream.indirect.scatter.add.f32 [tilespmem:s24], [sflag:$0x1], $0x1, s0, s31, $0xb8;
	[tilespmem:$0x1BC60] =	vst v63  }
0xa9: {  	s25 =	simm.s32 $0x1B100  }
0xaa: {  	[spmem:s6] =	stream.indirect.scatter.add.f32 [tilespmem:s25], [sflag:$0x1], $0x1, s0, s31, $0xb8;
	[tilespmem:$0x1BC60] =	vst v63  }
0xab: {  	_ =	swait.ge [sflag:s29], $0x200  }
0xac: {  	s1 =	simm.s32 $0x4B;
	[sflag:s29] =	ssyncset.done $0x0  }
.LBB2_13:
0xad: {  	p3 =	sne.s32 s1, $0x1;
	s1 =	sadd.s32 $0xFFFFFFFF, s1;
	[sflag:s29] =	ssyncadd.s32 $0xFFFFFE00  }
.Ltmp6:
0xae: {  	(pc) =	sbr.rel @p3 .LBB2_13-.Ltmp6, $3  }
0xaf: {  	_ =	sdelay $0x1  }
0xb0: {  	_ =	swait.ge [sflag:s29], $0x200  }
0xb1: {  	[sflag:s29] =	ssyncset.done $0x0  }
0xb2: {  	[sflag:s29] =	ssyncadd.s32 $0xFFFFFE00  }
0xb3: {  	_ =	swait.ge [sflag:s29], $0x110  }
0xb4: {  	[sflag:s29] =	ssyncset.done $0x0  }
0xb5: {  	[sflag:s29] =	ssyncadd.s32 $0xFFFFFEF0  }
0xb6: {  	_ =	swait.ge [sflag:s29], $0x110  }
0xb7: {  	[sflag:s29] =	ssyncset.done $0x0  }
0xb8: {  	[sflag:s29] =	ssyncadd.s32 $0xFFFFFEF0  }
0xb9: {  	_ =	swait.ge [sflag:s29], $0x110  }
0xba: {  	[sflag:s29] =	ssyncset.done $0x0  }
0xbb: {  	[sflag:s29] =	ssyncadd.s32 $0xFFFFFEF0  }
0xbc: {  	_ =	swait.ge [sflag:s29], $0x110  }
0xbd: {  	s1 =	sshrl.u32 @!p0 s2, $0x3;
	[sflag:s29] =	ssyncset.done $0x0  }
0xbe: {  	s5 =	simm.s32 @!p0 $0x1;
	s8 =	simm.s32 @!p0 $0x40;
	[sflag:s29] =	ssyncadd.s32 $0xFFFFFEF0  }
0xbf: {  	s9 =	simm.s32 @!p0 $0x10;
	s10 =	simm.s32 @!p0 $0x1C02;
	[bflag:$0x0] =	sbarrier.arrive $0xFFFF  }
0xc0: {  	[hbm:s15@s8], [sflag:s10] =	dma.strided @!p0 [spmem:s1@s9], $0x4F0, s5, $0x10   }
0xc1: {  	s1 =	simm.s32 @!p0 $0x2  }
0xc2: {  	_ =	swait.ge @!p0 [sflag:s1], $0x4F0  }
0xc3: {  	[sflag:s1] =	ssyncset.done @!p0 $0x0  }
0xc4: {  	s11 =	sshrl.u32 @!p0 s3, $0x3;
	[sflag:s1] =	ssyncadd.s32 @!p0 $0xFFFFFB10  }
0xc5: {  	[hbm:s16@s8], [sflag:s10] =	dma.strided @!p0 [spmem:s11@s9], $0x4F0, s5, $0x10   }
0xc6: {  	s5 =	stileid.u32  }
0xc7: {  	s8 =	simm.s32 @p2 $0x1;
	s9 =	simm.s32 @p2 $0x40;
	_ =	swait.ge @!p0 [sflag:s1], $0x4F0  }
0xc8: {  	s10 =	simm.s32 @p2 $0x10;
	s5 =	sshll.u32 @p2 s5, $0x6;
	[sflag:s1] =	ssyncset.done @!p0 $0x0  }
0xc9: {  	[sflag:s1] =	ssyncadd.s32 @!p0 $0xFFFFFB10;
	s1 =	sor.u32 @p2 $0x1C02, s5;
	s5 =	sshrl.u32 @p2 s4, $0x3  }
0xca: {  	[hbm:s17@s9], [sflag:s1] =	dma.strided @p2 [spmem:s5@s10], $0x4F0, s8, $0x10   }
0xcb: {  	s5 =	simm.s32 @p2 $0x2  }
0xcc: {  	s26 =	sadd.s32 $0x1, s26;
	_ =	swait.ge @p2 [sflag:s5], $0x4F0  }
0xcd: {  	p3 =	sne.s32 s26, s19;
	[sflag:s5] =	ssyncset.done @p2 $0x0  }
.Ltmp7:
0xce: {  	s11 =	sshrl.u32 @p2 s6, $0x3;
	[sflag:s5] =	ssyncadd.s32 @p2 $0xFFFFFB10;
	(pc) =	sbr.rel @p3 .LBB2_1-.Ltmp7, $4  }
0xcf: {  	[hbm:s18@s9], [sflag:s1] =	dma.strided @p2 [spmem:s11@s10], $0x4F0, s8, $0x10   }
0xd0: {  	_ =	swait.ge @p2 [sflag:s5], $0x4F0  }
0xd1: {  	[sflag:s5] =	ssyncset.done @p2 $0x0  }
0xd2: {  	[sflag:s5] =	ssyncadd.s32 @p2 $0xFFFFFB10  }
0xd3: {  	_ =	sfence.sel $0x180000  }
0xd4: {  	[bflag:$0x0] =	sbarrier.arrive $0xFFFF  }
0xd5: {  	_ =	strace $0x9000004A  }
0xd6: {  	s0 =	stileid.u32;
	[bflag:$0x2] =	sbarrier.arrive $0xFFFF  }
0xd7: {  	p0 =	sne.s32 s0, $0x0;
	s0 =	rddreg [dreg:$0x7]  }
0xd8: {  	s0 =	sadd.s32 @!p0 $0x100000, s0  }
0xd9: {  	[sflag:s0] =	ssyncadd.tile.s32 @!p0 $0x1;
	_ =	shalt  }
.Lfunc_end2:
_tile_overlayer_lowered:
.L_overlay_start_2:
0xda: {  	(tag) =	ssettag $0x2  }
0xdb: {  	s0 =	rddreg [dreg:$0x0];
	s2 =	stileid.u32  }
0xdc: {  	s1 =	rddreg [dreg:$0x1];
	p0 =	sne.s32 s2, $0x0  }
0xdd: {  	s3 =	rddreg [dreg:$0x2];
	[bflag:$0x3] =	sbarrier.arrive $0xFFFF;
	s2 =	simm.s32 @!p0 $0x1C02  }
0xde: {  	[timem:s3], [sflag:s2] =	dma.local @!p0 [hbm:s0], s1  }
0xdf: {  	s0 =	simm.s32 @!p0 $0x2  }
0xe0: {  	_ =	swait.ge @!p0 [sflag:s0], s1  }
0xe1: {  	s1 =	ssub.s32 @!p0 $0x0, s1;
	[sflag:s0] =	ssyncset.done @!p0 $0x0  }
0xe2: {  	[sflag:s0] =	ssyncadd.s32 @!p0 s1  }
0xe3: {  	[bflag:$0x3] =	sbarrier.arrive $0xFFFF  }
0xe4: {  	_ =	shalt  }

</sc_bundles>
